<compile_context>
chip_gen: v7x
topology: tpu7x:2x2x1
jax: 0.10.2.dev20260603
libtpu: 0.0.44.dev20260713+nightly
codegen_flags: <defaults>
</compile_context>

<pallas_src>
import jax
import jax.numpy as jnp
from jax import lax
from jax.experimental import pallas as pl
from jax.experimental.pallas import tpu as pltpu
from jax.experimental.pallas import tpu_sc as plsc

N_POS_K = 4096
N_NEG_K = 12288
THRESH_K = 1.0

_NUM_WORKERS = 32
_BPW = N_POS_K // _NUM_WORKERS
_L = 16

_TILE_P = 2048
_TILE_N = 6144



def _sc_corr_body(idx_hbm, tab_hbm, af_hbm, fns_hbm, out_hbm,
                  idx_v, lam_v, af_v, negf_v, acc_v, sem):
    wid = lax.axis_index("s") * 2 + lax.axis_index("c")
    base = wid * _BPW

    pltpu.sync_copy(idx_hbm.at[pl.ds(base, _BPW)], idx_v)
    pltpu.async_copy(tab_hbm.at[idx_v], lam_v, sem).wait()

    acc_v[...] = jnp.zeros((_L,), jnp.float32)

    def _any_chunk(k, m):
        return jnp.maximum(m, jnp.where(lam_v[pl.ds(k * _L, _L)] > 0.0, 1.0, 0.0))

    flag16 = lax.fori_loop(0, _BPW // _L, _any_chunk,
                           jnp.zeros((_L,), jnp.float32))
    any_pos = sum(flag16[k] for k in range(_L)) > 0.5

    @pl.when(any_pos)
    def _correct():
        pltpu.sync_copy(af_hbm.at[pl.ds(base, _BPW)], af_v)
        pltpu.sync_copy(fns_hbm, negf_v)

        def _rowgroup(g, carry):
            sl = pl.ds(g * _L, _L)
            lamg = lam_v[sl]
            ag = af_v[sl]
            for k in range(_L):
                lam_r = lamg[k]
                lam16 = jnp.full((_L,), lam_r)
                a16 = jnp.full((_L,), ag[k])

                @pl.when(lam_r > 0.0)
                def _do_row(a16=a16, lam16=lam16):
                    def _chunk(c, acc2):
                        n = negf_v[pl.ds(c * _L, _L)]
                        t = a16 + n
                        m = jnp.maximum(t, 0.0)
                        h = m * m
                        keep = (t > 0.0) & (h <= lam16)
                        return acc2 + jnp.where(keep, h, 0.0)

                    row16 = lax.fori_loop(0, N_NEG_K // _L, _chunk,
                                          jnp.zeros((_L,), jnp.float32))
                    acc_v[...] = acc_v[...] + row16

            return carry

        lax.fori_loop(0, _BPW // _L, _rowgroup, 0)

    pltpu.sync_copy(acc_v, out_hbm.at[wid])


def _sc_correction(idx, table, af, fnsb):
    mesh = plsc.VectorSubcoreMesh(core_axis_name="c", subcore_axis_name="s")
    k = pl.kernel(
        _sc_corr_body,
        out_type=jax.ShapeDtypeStruct((_NUM_WORKERS, _L), jnp.float32),
        mesh=mesh,
        scratch_types=[
            pltpu.VMEM((_BPW,), jnp.int32),
            pltpu.VMEM((_BPW,), jnp.float32),
            pltpu.VMEM((_BPW,), jnp.float32),
            pltpu.VMEM((N_NEG_K,), jnp.float32),
            pltpu.VMEM((_L,), jnp.float32),
            pltpu.SemaphoreType.DMA,
        ],
    )
    return k(idx, table, af, fnsb)



def _tc_loss_body(a_ref, fns_ref, out_ref, acc_ref):
    i = pl.program_id(0)
    j = pl.program_id(1)

    @pl.when((i == 0) & (j == 0))
    def _init():
        acc_ref[...] = jnp.zeros_like(acc_ref)

    t = a_ref[...] + fns_ref[...]
    m = jnp.maximum(t, jnp.bfloat16(0.0))
    masked = m * m
    ones = jnp.ones((1, _TILE_P), dtype=jnp.bfloat16)
    red = jax.lax.dot_general(ones, masked, (((1,), (0,)), ((), ())),
                              preferred_element_type=jnp.float32)
    acc_ref[...] += red

    @pl.when((i == pl.num_programs(0) - 1) & (j == pl.num_programs(1) - 1))
    def _fin():
        out_ref[...] = jnp.full((1, 1), jnp.sum(acc_ref[...]) * (1.0 / N_POS_K),
                                dtype=jnp.float32)


_tc_loss = pl.pallas_call(
    _tc_loss_body,
    grid=(N_POS_K // _TILE_P, N_NEG_K // _TILE_N),
    in_specs=[
        pl.BlockSpec((_TILE_P, 1), lambda i, j: (i, 0)),
        pl.BlockSpec((1, _TILE_N), lambda i, j: (0, j)),
    ],
    out_specs=pl.BlockSpec((1, 1), lambda i, j: (0, 0)),
    out_shape=jax.ShapeDtypeStruct((1, 1), jnp.float32),
    scratch_shapes=[pltpu.VMEM((1, _TILE_N), jnp.float32)],
)


def kernel(y_pred, y_true, index_p, lambda_pos):
    yp = y_pred[:, 0]
    yt = y_true[:, 0]

    fns_f32 = yp[N_POS_K:] * (yt[N_POS_K:] == 0)
    fns_bf = fns_f32.astype(jnp.bfloat16).reshape(1, N_NEG_K)
    af = THRESH_K - yp[:N_POS_K] * (yt[:N_POS_K] == 1)
    a_bf = af.astype(jnp.bfloat16).reshape(N_POS_K, 1)

    corr = _sc_correction(index_p.reshape(-1), lambda_pos.reshape(-1),
                          af, fns_f32)
    u = _tc_loss(a_bf, fns_bf)
    return u[0, 0] - jnp.sum(corr) * (1.0 / N_POS_K)

# --- scband reference (transcript-rebuilt; emitter-appended) ---
"""Pipeline reference for scband-top-push-loss-36558761623854 (READ-ONLY COPY).

The authoritative reference and input builder live on the scoring server;
editing this copy changes nothing except your own understanding.
"""

import jax, jax.numpy as jnp
import numpy as np

B = 16384
N_POS = 4096
N_NEG = 12288
POS_LENGTH = 100000
NUM_NEG = 12288
THRESHOLD = 1.0
BETA = 1.0 / NUM_NEG


def setup_inputs(seed: int = 0):
    key = jax.random.key(seed)
    k1, k2 = jax.random.split(key)
    y_pred = jax.random.normal(k1, (B, 1), dtype=jnp.float32)
    # structured labels: first N_POS are positives (1), remainder negatives (0)
    y_true = jnp.concatenate([
        jnp.ones((N_POS, 1), dtype=jnp.int32),
        jnp.zeros((N_NEG, 1), dtype=jnp.int32),
    ], axis=0)
    # index_p: for positives, index into lambda_pos table; for negatives, -1 (filtered out)
    index_p = jnp.concatenate([
        jax.random.randint(k2, (N_POS,), 0, POS_LENGTH, dtype=jnp.int32),
        -jnp.ones((N_NEG,), dtype=jnp.int32),
    ], axis=0)
    # learned/state parameter: per-positive CVaR threshold lambda, initialized to zero
    lambda_pos = jnp.zeros((POS_LENGTH, 1), dtype=jnp.float32)
    return {"y_pred": y_pred, "y_true": y_true, "index_p": index_p, "lambda_pos": lambda_pos}


def reference(y_pred, y_true, index_p, lambda_pos):
    # positives occupy rows [:N_POS], negatives rows [N_POS:] (setup invariant);
    # traced labels gate the slices so the dependence stays expressed
    yt = y_true.reshape(-1)
    yp = y_pred.reshape(-1)
    pos_gate = (yt[:N_POS] == 1).astype(yp.dtype)
    neg_gate = (yt[N_POS:] == 0).astype(yp.dtype)
    f_ps = (yp[:N_POS] * pos_gate).reshape(-1, 1)  # [n_p, 1]
    f_ns = (yp[N_POS:] * neg_gate).reshape(-1, 1)  # [n_n, 1]
    idx_p = index_p.reshape(-1)[:N_POS]  # valid (>= 0) entries occupy the first N_POS slots
    # f_ps.repeat(1, n_n) - f_ns.repeat(1, n_p).T  ==  broadcasted pairwise diff
    diff = f_ps - f_ns.T  # [n_p, n_n]
    # squared hinge surrogate: max(threshold - t, 0)^2
    loss_mat = jnp.maximum(THRESHOLD - diff, 0.0) ** 2
    lam = jnp.take(lambda_pos.reshape(-1), idx_p).reshape(-1, 1)  # [n_p, 1]
    p = (loss_mat > lam).astype(loss_mat.dtype)  # detached indicator
    p = jax.lax.stop_gradient(p)
    loss = jnp.mean(p * loss_mat) / BETA
    return loss

if __name__ == "__main__":
    import jax
    _d = setup_inputs()
    print(jax.jit(kernel)(*tuple(_d.values())))

</pallas_src>

<mosaic_0001>
#map = affine_map<(d0, d1) -> (0)>
#map1 = affine_map<(d0, d1) -> (0, 0)>
module attributes {stable_mosaic.version = 14 : i64} {
  func.func @_sc_corr_body(%arg0: i32, %arg1: i32, %arg2: memref<16384xi32, #tpu.memory_space<hbm>>, %arg3: memref<100000xf32, #tpu.memory_space<hbm>>, %arg4: memref<4096xf32, #tpu.memory_space<hbm>>, %arg5: memref<12288xf32, #tpu.memory_space<hbm>>, %arg6: memref<32x16xf32, #tpu.memory_space<hbm>>, %arg7: memref<128xi32, #tpu.memory_space<vmem>>, %arg8: memref<128xf32, #tpu.memory_space<vmem>>, %arg9: memref<128xf32, #tpu.memory_space<vmem>>, %arg10: memref<12288xf32, #tpu.memory_space<vmem>>, %arg11: memref<16xf32, #tpu.memory_space<vmem>>, %arg12: memref<!tpu.dma_semaphore, #tpu.memory_space<semaphore_mem>>) attributes {dimension_semantics = [#tpu.dimension_semantics<core_parallel>, #tpu.dimension_semantics<subcore_parallel>], iteration_bounds = array<i64: 2, 16>, scalar_prefetch = 0 : i64, scratch_operands = 6 : i64, tpu.core_type = #tpu.core_type<sc_vector_subcore>, window_params = [{transform_indices = #map}, {transform_indices = #map}, {transform_indices = #map}, {transform_indices = #map}, {transform_indices = #map1}]} {
    %mul3A = arith.constant 2 : i32
    %mul3A_0 = arith.muli %arg1, %mul3A : i32
    %add3A = arith.addi %mul3A_0, %arg0 : i32
    %mul3A_1 = arith.constant 128 : i32
    %mul3A_2 = arith.muli %add3A, %mul3A_1 : i32
    "tpu.region"() ({
      %run_scoped3A = tpu.sem_alloc : memref<!tpu.dma_semaphore, #tpu.memory_space<semaphore_mem>>
      %dma_start3A_65 = tpu.memref_slice %arg2[%mul3A_2] : memref<16384xi32, #tpu.memory_space<hbm>> -> memref<128xi32, #tpu.memory_space<hbm>>
      %dma_start3A_66 = tpu.memref_slice %arg2[%mul3A_2] : memref<16384xi32, #tpu.memory_space<hbm>> -> memref<128xi32, #tpu.memory_space<hbm>>
      tpu.enqueue_dma source(%dma_start3A_66 : memref<128xi32, #tpu.memory_space<hbm>>) target(%arg7 : memref<128xi32, #tpu.memory_space<vmem>>) target_semaphore(%run_scoped3A : memref<!tpu.dma_semaphore, #tpu.memory_space<semaphore_mem>>)
      %dma_wait3A_67 = tpu.memref_slice %arg2[%mul3A_2] : memref<16384xi32, #tpu.memory_space<hbm>> -> memref<128xi32, #tpu.memory_space<hbm>>
      %dma_wait3A_68 = tpu.memref_slice %arg2[%mul3A_2] : memref<16384xi32, #tpu.memory_space<hbm>> -> memref<128xi32, #tpu.memory_space<hbm>>
      tpu.wait_dma2 semaphore(%run_scoped3A : memref<!tpu.dma_semaphore, #tpu.memory_space<semaphore_mem>>) src(%dma_wait3A_68 : memref<128xi32, #tpu.memory_space<hbm>>) dst(%arg7 : memref<128xi32, #tpu.memory_space<vmem>>)
      tpu.yield
    }) : () -> ()
    %dma_start3A = arith.constant 0 : i32
    %dma_start3A_3 = tpu.memref_slice %arg3[%dma_start3A] : memref<100000xf32, #tpu.memory_space<hbm>> -> memref<100000xf32, #tpu.memory_space<hbm>>
    tpu.enqueue_indirect_dma source(%dma_start3A_3 : memref<100000xf32, #tpu.memory_space<hbm>>) target(%arg8 : memref<128xf32, #tpu.memory_space<vmem>>) offsets(%arg7 : memref<128xi32, #tpu.memory_space<vmem>>) semaphore(%arg12 : memref<!tpu.dma_semaphore, #tpu.memory_space<semaphore_mem>>)
    %dma_wait3A = arith.constant 0 : i32
    %dma_wait3A_4 = tpu.memref_slice %arg3[%dma_wait3A] : memref<100000xf32, #tpu.memory_space<hbm>> -> memref<100000xf32, #tpu.memory_space<hbm>>
    tpu.wait_indirect_dma semaphore(%arg12 : memref<!tpu.dma_semaphore, #tpu.memory_space<semaphore_mem>>) src(%dma_wait3A_4 : memref<100000xf32, #tpu.memory_space<hbm>>) dst(%arg8 : memref<128xf32, #tpu.memory_space<vmem>>)
    %broadcast_in_dim3A = arith.constant 0.000000e+00 : f32
    %broadcast_in_dim3A_5 = vector.broadcast %broadcast_in_dim3A : f32 to vector<16xf32>
    %swap3A = arith.constant 0 : index
    %swap3A_6 = tpu.vector_load %arg11[%swap3A] {strides = array<i32>} : memref<16xf32, #tpu.memory_space<vmem>>, vector<16xf32>,
    %swap3A_7 = vector.shape_cast %swap3A_6 : vector<16xf32> to vector<16xf32>
    %swap3A_8 = vector.shape_cast %broadcast_in_dim3A_5 : vector<16xf32> to vector<16xf32>
    tpu.vector_store %arg11[%swap3A], %swap3A_8 {strides = array<i32>} : memref<16xf32, #tpu.memory_space<vmem>>, vector<16xf32>,
    %broadcast_in_dim3A_9 = arith.constant 0.000000e+00 : f32
    %broadcast_in_dim3A_10 = vector.broadcast %broadcast_in_dim3A_9 : f32 to vector<16xf32>
    %scan3A = arith.constant 0 : i32
    %scan3A_11 = arith.constant 8 : i32
    %scan3A_12 = arith.addi %scan3A, %scan3A_11 : i32
    %scan3A_13 = arith.constant 1 : i32
    %scan3A_14 = scf.for %scan3A_65 = %scan3A to %scan3A_12 step %scan3A_13 iter_args(%scan3A_66 = %broadcast_in_dim3A_10) -> (vector<16xf32>)  : i32 {
      %mul3A_67 = arith.constant 16 : i32
      %mul3A_68 = arith.muli %scan3A_65, %mul3A_67 : i32
      %get3A = arith.index_cast %mul3A_68 : i32 to index
      %get3A_69 = tpu.vector_load %arg8[%get3A] {strides = array<i32>} : memref<128xf32, #tpu.memory_space<vmem>>, vector<16xf32>,
      %get3A_70 = vector.shape_cast %get3A_69 : vector<16xf32> to vector<16xf32>
      %gt3A_71 = arith.constant 0.000000e+00 : f32
      %gt3A_72 = vector.broadcast %gt3A_71 : f32 to vector<16xf32>
      %gt3A_73 = arith.cmpf ogt, %get3A_70, %gt3A_72 : vector<16xf32>
      %jit3A = arith.constant 1.000000e+00 : f32
      %jit3A_74 = arith.constant 0.000000e+00 : f32
      %broadcast_in_dim3A_75 = vector.broadcast %jit3A : f32 to vector<16xf32>
      %broadcast_in_dim3A_76 = vector.broadcast %jit3A_74 : f32 to vector<16xf32>
      %select_n3A = arith.select %gt3A_73, %broadcast_in_dim3A_75, %broadcast_in_dim3A_76 : vector<16xi1>, vector<16xf32>
      %max3A = arith.maximumf %scan3A_66, %select_n3A : vector<16xf32>
      scf.yield %max3A : vector<16xf32>
    }
    %scan3A_15 = arith.constant 8 : i32
    %slice3A = vector.extract_strided_slice %scan3A_14 {offsets = [0], sizes = [1], strides = [1]} : vector<16xf32> to vector<1xf32>
    %squeeze3A = vector.extract %slice3A[0] : f32 from vector<1xf32>
    %add3A_16 = arith.constant 0.000000e+00 : f32
    %add3A_17 = arith.addf %add3A_16, %squeeze3A : f32
    %slice3A_18 = vector.extract_strided_slice %scan3A_14 {offsets = [1], sizes = [1], strides = [1]} : vector<16xf32> to vector<1xf32>
    %squeeze3A_19 = vector.extract %slice3A_18[0] : f32 from vector<1xf32>
    %add3A_20 = arith.addf %add3A_17, %squeeze3A_19 : f32
    %slice3A_21 = vector.extract_strided_slice %scan3A_14 {offsets = [2], sizes = [1], strides = [1]} : vector<16xf32> to vector<1xf32>
    %squeeze3A_22 = vector.extract %slice3A_21[0] : f32 from vector<1xf32>
    %add3A_23 = arith.addf %add3A_20, %squeeze3A_22 : f32
    %slice3A_24 = vector.extract_strided_slice %scan3A_14 {offsets = [3], sizes = [1], strides = [1]} : vector<16xf32> to vector<1xf32>
    %squeeze3A_25 = vector.extract %slice3A_24[0] : f32 from vector<1xf32>
    %add3A_26 = arith.addf %add3A_23, %squeeze3A_25 : f32
    %slice3A_27 = vector.extract_strided_slice %scan3A_14 {offsets = [4], sizes = [1], strides = [1]} : vector<16xf32> to vector<1xf32>
    %squeeze3A_28 = vector.extract %slice3A_27[0] : f32 from vector<1xf32>
    %add3A_29 = arith.addf %add3A_26, %squeeze3A_28 : f32
    %slice3A_30 = vector.extract_strided_slice %scan3A_14 {offsets = [5], sizes = [1], strides = [1]} : vector<16xf32> to vector<1xf32>
    %squeeze3A_31 = vector.extract %slice3A_30[0] : f32 from vector<1xf32>
    %add3A_32 = arith.addf %add3A_29, %squeeze3A_31 : f32
    %slice3A_33 = vector.extract_strided_slice %scan3A_14 {offsets = [6], sizes = [1], strides = [1]} : vector<16xf32> to vector<1xf32>
    %squeeze3A_34 = vector.extract %slice3A_33[0] : f32 from vector<1xf32>
    %add3A_35 = arith.addf %add3A_32, %squeeze3A_34 : f32
    %slice3A_36 = vector.extract_strided_slice %scan3A_14 {offsets = [7], sizes = [1], strides = [1]} : vector<16xf32> to vector<1xf32>
    %squeeze3A_37 = vector.extract %slice3A_36[0] : f32 from vector<1xf32>
    %add3A_38 = arith.addf %add3A_35, %squeeze3A_37 : f32
    %slice3A_39 = vector.extract_strided_slice %scan3A_14 {offsets = [8], sizes = [1], strides = [1]} : vector<16xf32> to vector<1xf32>
    %squeeze3A_40 = vector.extract %slice3A_39[0] : f32 from vector<1xf32>
    %add3A_41 = arith.addf %add3A_38, %squeeze3A_40 : f32
    %slice3A_42 = vector.extract_strided_slice %scan3A_14 {offsets = [9], sizes = [1], strides = [1]} : vector<16xf32> to vector<1xf32>
    %squeeze3A_43 = vector.extract %slice3A_42[0] : f32 from vector<1xf32>
    %add3A_44 = arith.addf %add3A_41, %squeeze3A_43 : f32
    %slice3A_45 = vector.extract_strided_slice %scan3A_14 {offsets = [10], sizes = [1], strides = [1]} : vector<16xf32> to vector<1xf32>
    %squeeze3A_46 = vector.extract %slice3A_45[0] : f32 from vector<1xf32>
    %add3A_47 = arith.addf %add3A_44, %squeeze3A_46 : f32
    %slice3A_48 = vector.extract_strided_slice %scan3A_14 {offsets = [11], sizes = [1], strides = [1]} : vector<16xf32> to vector<1xf32>
    %squeeze3A_49 = vector.extract %slice3A_48[0] : f32 from vector<1xf32>
    %add3A_50 = arith.addf %add3A_47, %squeeze3A_49 : f32
    %slice3A_51 = vector.extract_strided_slice %scan3A_14 {offsets = [12], sizes = [1], strides = [1]} : vector<16xf32> to vector<1xf32>
    %squeeze3A_52 = vector.extract %slice3A_51[0] : f32 from vector<1xf32>
    %add3A_53 = arith.addf %add3A_50, %squeeze3A_52 : f32
    %slice3A_54 = vector.extract_strided_slice %scan3A_14 {offsets = [13], sizes = [1], strides = [1]} : vector<16xf32> to vector<1xf32>
    %squeeze3A_55 = vector.extract %slice3A_54[0] : f32 from vector<1xf32>
    %add3A_56 = arith.addf %add3A_53, %squeeze3A_55 : f32
    %slice3A_57 = vector.extract_strided_slice %scan3A_14 {offsets = [14], sizes = [1], strides = [1]} : vector<16xf32> to vector<1xf32>
    %squeeze3A_58 = vector.extract %slice3A_57[0] : f32 from vector<1xf32>
    %add3A_59 = arith.addf %add3A_56, %squeeze3A_58 : f32
    %slice3A_60 = vector.extract_strided_slice %scan3A_14 {offsets = [15], sizes = [1], strides = [1]} : vector<16xf32> to vector<1xf32>
    %squeeze3A_61 = vector.extract %slice3A_60[0] : f32 from vector<1xf32>
    %add3A_62 = arith.addf %add3A_59, %squeeze3A_61 : f32
    %gt3A = arith.constant 5.000000e-01 : f32
    %gt3A_63 = arith.cmpf ogt, %add3A_62, %gt3A : f32
    %convert_element_type3A = arith.extui %gt3A_63 : i1 to i32
    %cond3A = arith.constant 0 : i32
    %cond3A_64 = arith.cmpi ne, %convert_element_type3A, %cond3A : i32
    scf.if %cond3A_64 {
      "tpu.region"() ({
        %run_scoped3A = tpu.sem_alloc : memref<!tpu.dma_semaphore, #tpu.memory_space<semaphore_mem>>
        %dma_start3A_71 = tpu.memref_slice %arg4[%mul3A_2] : memref<4096xf32, #tpu.memory_space<hbm>> -> memref<128xf32, #tpu.memory_space<hbm>>
        %dma_start3A_72 = tpu.memref_slice %arg4[%mul3A_2] : memref<4096xf32, #tpu.memory_space<hbm>> -> memref<128xf32, #tpu.memory_space<hbm>>
        tpu.enqueue_dma source(%dma_start3A_72 : memref<128xf32, #tpu.memory_space<hbm>>) target(%arg9 : memref<128xf32, #tpu.memory_space<vmem>>) target_semaphore(%run_scoped3A : memref<!tpu.dma_semaphore, #tpu.memory_space<semaphore_mem>>)
        %dma_wait3A_73 = tpu.memref_slice %arg4[%mul3A_2] : memref<4096xf32, #tpu.memory_space<hbm>> -> memref<128xf32, #tpu.memory_space<hbm>>
        %dma_wait3A_74 = tpu.memref_slice %arg4[%mul3A_2] : memref<4096xf32, #tpu.memory_space<hbm>> -> memref<128xf32, #tpu.memory_space<hbm>>
        tpu.wait_dma2 semaphore(%run_scoped3A : memref<!tpu.dma_semaphore, #tpu.memory_space<semaphore_mem>>) src(%dma_wait3A_74 : memref<128xf32, #tpu.memory_space<hbm>>) dst(%arg9 : memref<128xf32, #tpu.memory_space<vmem>>)
        tpu.yield
      }) : () -> ()
      "tpu.region"() ({
        %run_scoped3A = tpu.sem_alloc : memref<!tpu.dma_semaphore, #tpu.memory_space<semaphore_mem>>
        tpu.enqueue_dma source(%arg5 : memref<12288xf32, #tpu.memory_space<hbm>>) target(%arg10 : memref<12288xf32, #tpu.memory_space<vmem>>) target_semaphore(%run_scoped3A : memref<!tpu.dma_semaphore, #tpu.memory_space<semaphore_mem>>)
        tpu.wait_dma2 semaphore(%run_scoped3A : memref<!tpu.dma_semaphore, #tpu.memory_space<semaphore_mem>>) src(%arg5 : memref<12288xf32, #tpu.memory_space<hbm>>) dst(%arg10 : memref<12288xf32, #tpu.memory_space<vmem>>)
        tpu.yield
      }) : () -> ()
      %scan3A_65 = arith.constant 0 : i32
      %scan3A_66 = arith.constant 0 : i32
      %scan3A_67 = arith.constant 8 : i32
      %scan3A_68 = arith.addi %scan3A_66, %scan3A_67 : i32
      %scan3A_69 = arith.constant 1 : i32
      scf.for %scan3A_71 = %scan3A_66 to %scan3A_68 step %scan3A_69  : i32 {
        %mul3A_72 = arith.constant 16 : i32
        %mul3A_73 = arith.muli %scan3A_71, %mul3A_72 : i32
        %get3A = arith.index_cast %mul3A_73 : i32 to index
        %get3A_74 = tpu.vector_load %arg8[%get3A] {strides = array<i32>} : memref<128xf32, #tpu.memory_space<vmem>>, vector<16xf32>,
        %get3A_75 = vector.shape_cast %get3A_74 : vector<16xf32> to vector<16xf32>
        %get3A_76 = arith.index_cast %mul3A_73 : i32 to index
        %get3A_77 = tpu.vector_load %arg9[%get3A_76] {strides = array<i32>} : memref<128xf32, #tpu.memory_space<vmem>>, vector<16xf32>,
        %get3A_78 = vector.shape_cast %get3A_77 : vector<16xf32> to vector<16xf32>
        %slice3A_79 = vector.extract_strided_slice %get3A_75 {offsets = [0], sizes = [1], strides = [1]} : vector<16xf32> to vector<1xf32>
        %squeeze3A_80 = vector.extract %slice3A_79[0] : f32 from vector<1xf32>
        %broadcast_in_dim3A_81 = vector.broadcast %squeeze3A_80 : f32 to vector<16xf32>
        %slice3A_82 = vector.extract_strided_slice %get3A_78 {offsets = [0], sizes = [1], strides = [1]} : vector<16xf32> to vector<1xf32>
        %squeeze3A_83 = vector.extract %slice3A_82[0] : f32 from vector<1xf32>
        %broadcast_in_dim3A_84 = vector.broadcast %squeeze3A_83 : f32 to vector<16xf32>
        %gt3A_85 = arith.constant 0.000000e+00 : f32
        %gt3A_86 = arith.cmpf ogt, %squeeze3A_80, %gt3A_85 : f32
        %convert_element_type3A_87 = arith.extui %gt3A_86 : i1 to i32
        %cond3A_88 = arith.constant 0 : i32
        %cond3A_89 = arith.cmpi ne, %convert_element_type3A_87, %cond3A_88 : i32
        scf.if %cond3A_89 {
          %broadcast_in_dim3A_255 = arith.constant 0.000000e+00 : f32
          %broadcast_in_dim3A_256 = vector.broadcast %broadcast_in_dim3A_255 : f32 to vector<16xf32>
          %scan3A_257 = arith.constant 0 : i32
          %scan3A_258 = arith.constant 768 : i32
          %scan3A_259 = arith.addi %scan3A_257, %scan3A_258 : i32
          %scan3A_260 = arith.constant 1 : i32
          %scan3A_261 = scf.for %scan3A_271 = %scan3A_257 to %scan3A_259 step %scan3A_260 iter_args(%scan3A_272 = %broadcast_in_dim3A_256) -> (vector<16xf32>)  : i32 {
            %mul3A_273 = arith.constant 16 : i32
            %mul3A_274 = arith.muli %scan3A_271, %mul3A_273 : i32
            %get3A_275 = arith.index_cast %mul3A_274 : i32 to index
            %get3A_276 = tpu.vector_load %arg10[%get3A_275] {strides = array<i32>} : memref<12288xf32, #tpu.memory_space<vmem>>, vector<16xf32>,
            %get3A_277 = vector.shape_cast %get3A_276 : vector<16xf32> to vector<16xf32>
            %add3A_278 = arith.addf %broadcast_in_dim3A_84, %get3A_277 : vector<16xf32>
            %max3A = arith.constant 0.000000e+00 : f32
            %max3A_279 = vector.broadcast %max3A : f32 to vector<16xf32>
            %max3A_280 = arith.maximumf %add3A_278, %max3A_279 : vector<16xf32>
            %mul3A_281 = arith.mulf %max3A_280, %max3A_280 : vector<16xf32>
            %gt3A_282 = arith.constant 0.000000e+00 : f32
            %gt3A_283 = vector.broadcast %gt3A_282 : f32 to vector<16xf32>
            %gt3A_284 = arith.cmpf ogt, %add3A_278, %gt3A_283 : vector<16xf32>
            %le3A = arith.cmpf ole, %mul3A_281, %broadcast_in_dim3A_81 : vector<16xf32>
            %and3A = arith.andi %gt3A_284, %le3A : vector<16xi1>
            %jit3A = arith.constant 0.000000e+00 : f32
            %broadcast_in_dim3A_285 = vector.broadcast %jit3A : f32 to vector<16xf32>
            %select_n3A = arith.select %and3A, %mul3A_281, %broadcast_in_dim3A_285 : vector<16xi1>, vector<16xf32>
            %add3A_286 = arith.addf %scan3A_272, %select_n3A : vector<16xf32>
            scf.yield %add3A_286 : vector<16xf32>
          }
          %scan3A_262 = arith.constant 768 : i32
          %get3A_263 = arith.constant 0 : index
          %get3A_264 = tpu.vector_load %arg11[%get3A_263] {strides = array<i32>} : memref<16xf32, #tpu.memory_space<vmem>>, vector<16xf32>,
          %get3A_265 = vector.shape_cast %get3A_264 : vector<16xf32> to vector<16xf32>
          %add3A_266 = arith.addf %get3A_265, %scan3A_261 : vector<16xf32>
          %swap3A_267 = arith.constant 0 : index
          %swap3A_268 = tpu.vector_load %arg11[%swap3A_267] {strides = array<i32>} : memref<16xf32, #tpu.memory_space<vmem>>, vector<16xf32>,
          %swap3A_269 = vector.shape_cast %swap3A_268 : vector<16xf32> to vector<16xf32>
          %swap3A_270 = vector.shape_cast %add3A_266 : vector<16xf32> to vector<16xf32>
          tpu.vector_store %arg11[%swap3A_267], %swap3A_270 {strides = array<i32>} : memref<16xf32, #tpu.memory_space<vmem>>, vector<16xf32>,
        } else {
        }
        %slice3A_90 = vector.extract_strided_slice %get3A_75 {offsets = [1], sizes = [1], strides = [1]} : vector<16xf32> to vector<1xf32>
        %squeeze3A_91 = vector.extract %slice3A_90[0] : f32 from vector<1xf32>
        %broadcast_in_dim3A_92 = vector.broadcast %squeeze3A_91 : f32 to vector<16xf32>
        %slice3A_93 = vector.extract_strided_slice %get3A_78 {offsets = [1], sizes = [1], strides = [1]} : vector<16xf32> to vector<1xf32>
        %squeeze3A_94 = vector.extract %slice3A_93[0] : f32 from vector<1xf32>
        %broadcast_in_dim3A_95 = vector.broadcast %squeeze3A_94 : f32 to vector<16xf32>
        %gt3A_96 = arith.constant 0.000000e+00 : f32
        %gt3A_97 = arith.cmpf ogt, %squeeze3A_91, %gt3A_96 : f32
        %convert_element_type3A_98 = arith.extui %gt3A_97 : i1 to i32
        %cond3A_99 = arith.constant 0 : i32
        %cond3A_100 = arith.cmpi ne, %convert_element_type3A_98, %cond3A_99 : i32
        scf.if %cond3A_100 {
          %broadcast_in_dim3A_255 = arith.constant 0.000000e+00 : f32
          %broadcast_in_dim3A_256 = vector.broadcast %broadcast_in_dim3A_255 : f32 to vector<16xf32>
          %scan3A_257 = arith.constant 0 : i32
          %scan3A_258 = arith.constant 768 : i32
          %scan3A_259 = arith.addi %scan3A_257, %scan3A_258 : i32
          %scan3A_260 = arith.constant 1 : i32
          %scan3A_261 = scf.for %scan3A_271 = %scan3A_257 to %scan3A_259 step %scan3A_260 iter_args(%scan3A_272 = %broadcast_in_dim3A_256) -> (vector<16xf32>)  : i32 {
            %mul3A_273 = arith.constant 16 : i32
            %mul3A_274 = arith.muli %scan3A_271, %mul3A_273 : i32
            %get3A_275 = arith.index_cast %mul3A_274 : i32 to index
            %get3A_276 = tpu.vector_load %arg10[%get3A_275] {strides = array<i32>} : memref<12288xf32, #tpu.memory_space<vmem>>, vector<16xf32>,
            %get3A_277 = vector.shape_cast %get3A_276 : vector<16xf32> to vector<16xf32>
            %add3A_278 = arith.addf %broadcast_in_dim3A_95, %get3A_277 : vector<16xf32>
            %max3A = arith.constant 0.000000e+00 : f32
            %max3A_279 = vector.broadcast %max3A : f32 to vector<16xf32>
            %max3A_280 = arith.maximumf %add3A_278, %max3A_279 : vector<16xf32>
            %mul3A_281 = arith.mulf %max3A_280, %max3A_280 : vector<16xf32>
            %gt3A_282 = arith.constant 0.000000e+00 : f32
            %gt3A_283 = vector.broadcast %gt3A_282 : f32 to vector<16xf32>
            %gt3A_284 = arith.cmpf ogt, %add3A_278, %gt3A_283 : vector<16xf32>
            %le3A = arith.cmpf ole, %mul3A_281, %broadcast_in_dim3A_92 : vector<16xf32>
            %and3A = arith.andi %gt3A_284, %le3A : vector<16xi1>
            %jit3A = arith.constant 0.000000e+00 : f32
            %broadcast_in_dim3A_285 = vector.broadcast %jit3A : f32 to vector<16xf32>
            %select_n3A = arith.select %and3A, %mul3A_281, %broadcast_in_dim3A_285 : vector<16xi1>, vector<16xf32>
            %add3A_286 = arith.addf %scan3A_272, %select_n3A : vector<16xf32>
            scf.yield %add3A_286 : vector<16xf32>
          }
          %scan3A_262 = arith.constant 768 : i32
          %get3A_263 = arith.constant 0 : index
          %get3A_264 = tpu.vector_load %arg11[%get3A_263] {strides = array<i32>} : memref<16xf32, #tpu.memory_space<vmem>>, vector<16xf32>,
          %get3A_265 = vector.shape_cast %get3A_264 : vector<16xf32> to vector<16xf32>
          %add3A_266 = arith.addf %get3A_265, %scan3A_261 : vector<16xf32>
          %swap3A_267 = arith.constant 0 : index
          %swap3A_268 = tpu.vector_load %arg11[%swap3A_267] {strides = array<i32>} : memref<16xf32, #tpu.memory_space<vmem>>, vector<16xf32>,
          %swap3A_269 = vector.shape_cast %swap3A_268 : vector<16xf32> to vector<16xf32>
          %swap3A_270 = vector.shape_cast %add3A_266 : vector<16xf32> to vector<16xf32>
          tpu.vector_store %arg11[%swap3A_267], %swap3A_270 {strides = array<i32>} : memref<16xf32, #tpu.memory_space<vmem>>, vector<16xf32>,
        } else {
        }
        %slice3A_101 = vector.extract_strided_slice %get3A_75 {offsets = [2], sizes = [1], strides = [1]} : vector<16xf32> to vector<1xf32>
        %squeeze3A_102 = vector.extract %slice3A_101[0] : f32 from vector<1xf32>
        %broadcast_in_dim3A_103 = vector.broadcast %squeeze3A_102 : f32 to vector<16xf32>
        %slice3A_104 = vector.extract_strided_slice %get3A_78 {offsets = [2], sizes = [1], strides = [1]} : vector<16xf32> to vector<1xf32>
        %squeeze3A_105 = vector.extract %slice3A_104[0] : f32 from vector<1xf32>
        %broadcast_in_dim3A_106 = vector.broadcast %squeeze3A_105 : f32 to vector<16xf32>
        %gt3A_107 = arith.constant 0.000000e+00 : f32
        %gt3A_108 = arith.cmpf ogt, %squeeze3A_102, %gt3A_107 : f32
        %convert_element_type3A_109 = arith.extui %gt3A_108 : i1 to i32
        %cond3A_110 = arith.constant 0 : i32
        %cond3A_111 = arith.cmpi ne, %convert_element_type3A_109, %cond3A_110 : i32
        scf.if %cond3A_111 {
          %broadcast_in_dim3A_255 = arith.constant 0.000000e+00 : f32
          %broadcast_in_dim3A_256 = vector.broadcast %broadcast_in_dim3A_255 : f32 to vector<16xf32>
          %scan3A_257 = arith.constant 0 : i32
          %scan3A_258 = arith.constant 768 : i32
          %scan3A_259 = arith.addi %scan3A_257, %scan3A_258 : i32
          %scan3A_260 = arith.constant 1 : i32
          %scan3A_261 = scf.for %scan3A_271 = %scan3A_257 to %scan3A_259 step %scan3A_260 iter_args(%scan3A_272 = %broadcast_in_dim3A_256) -> (vector<16xf32>)  : i32 {
            %mul3A_273 = arith.constant 16 : i32
            %mul3A_274 = arith.muli %scan3A_271, %mul3A_273 : i32
            %get3A_275 = arith.index_cast %mul3A_274 : i32 to index
            %get3A_276 = tpu.vector_load %arg10[%get3A_275] {strides = array<i32>} : memref<12288xf32, #tpu.memory_space<vmem>>, vector<16xf32>,
            %get3A_277 = vector.shape_cast %get3A_276 : vector<16xf32> to vector<16xf32>
            %add3A_278 = arith.addf %broadcast_in_dim3A_106, %get3A_277 : vector<16xf32>
            %max3A = arith.constant 0.000000e+00 : f32
            %max3A_279 = vector.broadcast %max3A : f32 to vector<16xf32>
            %max3A_280 = arith.maximumf %add3A_278, %max3A_279 : vector<16xf32>
            %mul3A_281 = arith.mulf %max3A_280, %max3A_280 : vector<16xf32>
            %gt3A_282 = arith.constant 0.000000e+00 : f32
            %gt3A_283 = vector.broadcast %gt3A_282 : f32 to vector<16xf32>
            %gt3A_284 = arith.cmpf ogt, %add3A_278, %gt3A_283 : vector<16xf32>
            %le3A = arith.cmpf ole, %mul3A_281, %broadcast_in_dim3A_103 : vector<16xf32>
            %and3A = arith.andi %gt3A_284, %le3A : vector<16xi1>
            %jit3A = arith.constant 0.000000e+00 : f32
            %broadcast_in_dim3A_285 = vector.broadcast %jit3A : f32 to vector<16xf32>
            %select_n3A = arith.select %and3A, %mul3A_281, %broadcast_in_dim3A_285 : vector<16xi1>, vector<16xf32>
            %add3A_286 = arith.addf %scan3A_272, %select_n3A : vector<16xf32>
            scf.yield %add3A_286 : vector<16xf32>
          }
          %scan3A_262 = arith.constant 768 : i32
          %get3A_263 = arith.constant 0 : index
          %get3A_264 = tpu.vector_load %arg11[%get3A_263] {strides = array<i32>} : memref<16xf32, #tpu.memory_space<vmem>>, vector<16xf32>,
          %get3A_265 = vector.shape_cast %get3A_264 : vector<16xf32> to vector<16xf32>
          %add3A_266 = arith.addf %get3A_265, %scan3A_261 : vector<16xf32>
          %swap3A_267 = arith.constant 0 : index
          %swap3A_268 = tpu.vector_load %arg11[%swap3A_267] {strides = array<i32>} : memref<16xf32, #tpu.memory_space<vmem>>, vector<16xf32>,
          %swap3A_269 = vector.shape_cast %swap3A_268 : vector<16xf32> to vector<16xf32>
          %swap3A_270 = vector.shape_cast %add3A_266 : vector<16xf32> to vector<16xf32>
          tpu.vector_store %arg11[%swap3A_267], %swap3A_270 {strides = array<i32>} : memref<16xf32, #tpu.memory_space<vmem>>, vector<16xf32>,
        } else {
        }
        %slice3A_112 = vector.extract_strided_slice %get3A_75 {offsets = [3], sizes = [1], strides = [1]} : vector<16xf32> to vector<1xf32>
        %squeeze3A_113 = vector.extract %slice3A_112[0] : f32 from vector<1xf32>
        %broadcast_in_dim3A_114 = vector.broadcast %squeeze3A_113 : f32 to vector<16xf32>
        %slice3A_115 = vector.extract_strided_slice %get3A_78 {offsets = [3], sizes = [1], strides = [1]} : vector<16xf32> to vector<1xf32>
        %squeeze3A_116 = vector.extract %slice3A_115[0] : f32 from vector<1xf32>
        %broadcast_in_dim3A_117 = vector.broadcast %squeeze3A_116 : f32 to vector<16xf32>
        %gt3A_118 = arith.constant 0.000000e+00 : f32
        %gt3A_119 = arith.cmpf ogt, %squeeze3A_113, %gt3A_118 : f32
        %convert_element_type3A_120 = arith.extui %gt3A_119 : i1 to i32
        %cond3A_121 = arith.constant 0 : i32
        %cond3A_122 = arith.cmpi ne, %convert_element_type3A_120, %cond3A_121 : i32
        scf.if %cond3A_122 {
          %broadcast_in_dim3A_255 = arith.constant 0.000000e+00 : f32
          %broadcast_in_dim3A_256 = vector.broadcast %broadcast_in_dim3A_255 : f32 to vector<16xf32>
          %scan3A_257 = arith.constant 0 : i32
          %scan3A_258 = arith.constant 768 : i32
          %scan3A_259 = arith.addi %scan3A_257, %scan3A_258 : i32
          %scan3A_260 = arith.constant 1 : i32
          %scan3A_261 = scf.for %scan3A_271 = %scan3A_257 to %scan3A_259 step %scan3A_260 iter_args(%scan3A_272 = %broadcast_in_dim3A_256) -> (vector<16xf32>)  : i32 {
            %mul3A_273 = arith.constant 16 : i32
            %mul3A_274 = arith.muli %scan3A_271, %mul3A_273 : i32
            %get3A_275 = arith.index_cast %mul3A_274 : i32 to index
            %get3A_276 = tpu.vector_load %arg10[%get3A_275] {strides = array<i32>} : memref<12288xf32, #tpu.memory_space<vmem>>, vector<16xf32>,
            %get3A_277 = vector.shape_cast %get3A_276 : vector<16xf32> to vector<16xf32>
            %add3A_278 = arith.addf %broadcast_in_dim3A_117, %get3A_277 : vector<16xf32>
            %max3A = arith.constant 0.000000e+00 : f32
            %max3A_279 = vector.broadcast %max3A : f32 to vector<16xf32>
            %max3A_280 = arith.maximumf %add3A_278, %max3A_279 : vector<16xf32>
            %mul3A_281 = arith.mulf %max3A_280, %max3A_280 : vector<16xf32>
            %gt3A_282 = arith.constant 0.000000e+00 : f32
            %gt3A_283 = vector.broadcast %gt3A_282 : f32 to vector<16xf32>
            %gt3A_284 = arith.cmpf ogt, %add3A_278, %gt3A_283 : vector<16xf32>
            %le3A = arith.cmpf ole, %mul3A_281, %broadcast_in_dim3A_114 : vector<16xf32>
            %and3A = arith.andi %gt3A_284, %le3A : vector<16xi1>
            %jit3A = arith.constant 0.000000e+00 : f32
            %broadcast_in_dim3A_285 = vector.broadcast %jit3A : f32 to vector<16xf32>
            %select_n3A = arith.select %and3A, %mul3A_281, %broadcast_in_dim3A_285 : vector<16xi1>, vector<16xf32>
            %add3A_286 = arith.addf %scan3A_272, %select_n3A : vector<16xf32>
            scf.yield %add3A_286 : vector<16xf32>
          }
          %scan3A_262 = arith.constant 768 : i32
          %get3A_263 = arith.constant 0 : index
          %get3A_264 = tpu.vector_load %arg11[%get3A_263] {strides = array<i32>} : memref<16xf32, #tpu.memory_space<vmem>>, vector<16xf32>,
          %get3A_265 = vector.shape_cast %get3A_264 : vector<16xf32> to vector<16xf32>
          %add3A_266 = arith.addf %get3A_265, %scan3A_261 : vector<16xf32>
          %swap3A_267 = arith.constant 0 : index
          %swap3A_268 = tpu.vector_load %arg11[%swap3A_267] {strides = array<i32>} : memref<16xf32, #tpu.memory_space<vmem>>, vector<16xf32>,
          %swap3A_269 = vector.shape_cast %swap3A_268 : vector<16xf32> to vector<16xf32>
          %swap3A_270 = vector.shape_cast %add3A_266 : vector<16xf32> to vector<16xf32>
          tpu.vector_store %arg11[%swap3A_267], %swap3A_270 {strides = array<i32>} : memref<16xf32, #tpu.memory_space<vmem>>, vector<16xf32>,
        } else {
        }
        %slice3A_123 = vector.extract_strided_slice %get3A_75 {offsets = [4], sizes = [1], strides = [1]} : vector<16xf32> to vector<1xf32>
        %squeeze3A_124 = vector.extract %slice3A_123[0] : f32 from vector<1xf32>
        %broadcast_in_dim3A_125 = vector.broadcast %squeeze3A_124 : f32 to vector<16xf32>
        %slice3A_126 = vector.extract_strided_slice %get3A_78 {offsets = [4], sizes = [1], strides = [1]} : vector<16xf32> to vector<1xf32>
        %squeeze3A_127 = vector.extract %slice3A_126[0] : f32 from vector<1xf32>
        %broadcast_in_dim3A_128 = vector.broadcast %squeeze3A_127 : f32 to vector<16xf32>
        %gt3A_129 = arith.constant 0.000000e+00 : f32
        %gt3A_130 = arith.cmpf ogt, %squeeze3A_124, %gt3A_129 : f32
        %convert_element_type3A_131 = arith.extui %gt3A_130 : i1 to i32
        %cond3A_132 = arith.constant 0 : i32
        %cond3A_133 = arith.cmpi ne, %convert_element_type3A_131, %cond3A_132 : i32
        scf.if %cond3A_133 {
          %broadcast_in_dim3A_255 = arith.constant 0.000000e+00 : f32
          %broadcast_in_dim3A_256 = vector.broadcast %broadcast_in_dim3A_255 : f32 to vector<16xf32>
          %scan3A_257 = arith.constant 0 : i32
          %scan3A_258 = arith.constant 768 : i32
          %scan3A_259 = arith.addi %scan3A_257, %scan3A_258 : i32
          %scan3A_260 = arith.constant 1 : i32
          %scan3A_261 = scf.for %scan3A_271 = %scan3A_257 to %scan3A_259 step %scan3A_260 iter_args(%scan3A_272 = %broadcast_in_dim3A_256) -> (vector<16xf32>)  : i32 {
            %mul3A_273 = arith.constant 16 : i32
            %mul3A_274 = arith.muli %scan3A_271, %mul3A_273 : i32
            %get3A_275 = arith.index_cast %mul3A_274 : i32 to index
            %get3A_276 = tpu.vector_load %arg10[%get3A_275] {strides = array<i32>} : memref<12288xf32, #tpu.memory_space<vmem>>, vector<16xf32>,
            %get3A_277 = vector.shape_cast %get3A_276 : vector<16xf32> to vector<16xf32>
            %add3A_278 = arith.addf %broadcast_in_dim3A_128, %get3A_277 : vector<16xf32>
            %max3A = arith.constant 0.000000e+00 : f32
            %max3A_279 = vector.broadcast %max3A : f32 to vector<16xf32>
            %max3A_280 = arith.maximumf %add3A_278, %max3A_279 : vector<16xf32>
            %mul3A_281 = arith.mulf %max3A_280, %max3A_280 : vector<16xf32>
            %gt3A_282 = arith.constant 0.000000e+00 : f32
            %gt3A_283 = vector.broadcast %gt3A_282 : f32 to vector<16xf32>
            %gt3A_284 = arith.cmpf ogt, %add3A_278, %gt3A_283 : vector<16xf32>
            %le3A = arith.cmpf ole, %mul3A_281, %broadcast_in_dim3A_125 : vector<16xf32>
            %and3A = arith.andi %gt3A_284, %le3A : vector<16xi1>
            %jit3A = arith.constant 0.000000e+00 : f32
            %broadcast_in_dim3A_285 = vector.broadcast %jit3A : f32 to vector<16xf32>
            %select_n3A = arith.select %and3A, %mul3A_281, %broadcast_in_dim3A_285 : vector<16xi1>, vector<16xf32>
            %add3A_286 = arith.addf %scan3A_272, %select_n3A : vector<16xf32>
            scf.yield %add3A_286 : vector<16xf32>
          }
          %scan3A_262 = arith.constant 768 : i32
          %get3A_263 = arith.constant 0 : index
          %get3A_264 = tpu.vector_load %arg11[%get3A_263] {strides = array<i32>} : memref<16xf32, #tpu.memory_space<vmem>>, vector<16xf32>,
          %get3A_265 = vector.shape_cast %get3A_264 : vector<16xf32> to vector<16xf32>
          %add3A_266 = arith.addf %get3A_265, %scan3A_261 : vector<16xf32>
          %swap3A_267 = arith.constant 0 : index
          %swap3A_268 = tpu.vector_load %arg11[%swap3A_267] {strides = array<i32>} : memref<16xf32, #tpu.memory_space<vmem>>, vector<16xf32>,
          %swap3A_269 = vector.shape_cast %swap3A_268 : vector<16xf32> to vector<16xf32>
          %swap3A_270 = vector.shape_cast %add3A_266 : vector<16xf32> to vector<16xf32>
          tpu.vector_store %arg11[%swap3A_267], %swap3A_270 {strides = array<i32>} : memref<16xf32, #tpu.memory_space<vmem>>, vector<16xf32>,
        } else {
        }
        %slice3A_134 = vector.extract_strided_slice %get3A_75 {offsets = [5], sizes = [1], strides = [1]} : vector<16xf32> to vector<1xf32>
        %squeeze3A_135 = vector.extract %slice3A_134[0] : f32 from vector<1xf32>
        %broadcast_in_dim3A_136 = vector.broadcast %squeeze3A_135 : f32 to vector<16xf32>
        %slice3A_137 = vector.extract_strided_slice %get3A_78 {offsets = [5], sizes = [1], strides = [1]} : vector<16xf32> to vector<1xf32>
        %squeeze3A_138 = vector.extract %slice3A_137[0] : f32 from vector<1xf32>
        %broadcast_in_dim3A_139 = vector.broadcast %squeeze3A_138 : f32 to vector<16xf32>
        %gt3A_140 = arith.constant 0.000000e+00 : f32
        %gt3A_141 = arith.cmpf ogt, %squeeze3A_135, %gt3A_140 : f32
        %convert_element_type3A_142 = arith.extui %gt3A_141 : i1 to i32
        %cond3A_143 = arith.constant 0 : i32
        %cond3A_144 = arith.cmpi ne, %convert_element_type3A_142, %cond3A_143 : i32
        scf.if %cond3A_144 {
          %broadcast_in_dim3A_255 = arith.constant 0.000000e+00 : f32
          %broadcast_in_dim3A_256 = vector.broadcast %broadcast_in_dim3A_255 : f32 to vector<16xf32>
          %scan3A_257 = arith.constant 0 : i32
          %scan3A_258 = arith.constant 768 : i32
          %scan3A_259 = arith.addi %scan3A_257, %scan3A_258 : i32
          %scan3A_260 = arith.constant 1 : i32
          %scan3A_261 = scf.for %scan3A_271 = %scan3A_257 to %scan3A_259 step %scan3A_260 iter_args(%scan3A_272 = %broadcast_in_dim3A_256) -> (vector<16xf32>)  : i32 {
            %mul3A_273 = arith.constant 16 : i32
            %mul3A_274 = arith.muli %scan3A_271, %mul3A_273 : i32
            %get3A_275 = arith.index_cast %mul3A_274 : i32 to index
            %get3A_276 = tpu.vector_load %arg10[%get3A_275] {strides = array<i32>} : memref<12288xf32, #tpu.memory_space<vmem>>, vector<16xf32>,
            %get3A_277 = vector.shape_cast %get3A_276 : vector<16xf32> to vector<16xf32>
            %add3A_278 = arith.addf %broadcast_in_dim3A_139, %get3A_277 : vector<16xf32>
            %max3A = arith.constant 0.000000e+00 : f32
            %max3A_279 = vector.broadcast %max3A : f32 to vector<16xf32>
            %max3A_280 = arith.maximumf %add3A_278, %max3A_279 : vector<16xf32>
            %mul3A_281 = arith.mulf %max3A_280, %max3A_280 : vector<16xf32>
            %gt3A_282 = arith.constant 0.000000e+00 : f32
            %gt3A_283 = vector.broadcast %gt3A_282 : f32 to vector<16xf32>
            %gt3A_284 = arith.cmpf ogt, %add3A_278, %gt3A_283 : vector<16xf32>
            %le3A = arith.cmpf ole, %mul3A_281, %broadcast_in_dim3A_136 : vector<16xf32>
            %and3A = arith.andi %gt3A_284, %le3A : vector<16xi1>
            %jit3A = arith.constant 0.000000e+00 : f32
            %broadcast_in_dim3A_285 = vector.broadcast %jit3A : f32 to vector<16xf32>
            %select_n3A = arith.select %and3A, %mul3A_281, %broadcast_in_dim3A_285 : vector<16xi1>, vector<16xf32>
            %add3A_286 = arith.addf %scan3A_272, %select_n3A : vector<16xf32>
            scf.yield %add3A_286 : vector<16xf32>
          }
          %scan3A_262 = arith.constant 768 : i32
          %get3A_263 = arith.constant 0 : index
          %get3A_264 = tpu.vector_load %arg11[%get3A_263] {strides = array<i32>} : memref<16xf32, #tpu.memory_space<vmem>>, vector<16xf32>,
          %get3A_265 = vector.shape_cast %get3A_264 : vector<16xf32> to vector<16xf32>
          %add3A_266 = arith.addf %get3A_265, %scan3A_261 : vector<16xf32>
          %swap3A_267 = arith.constant 0 : index
          %swap3A_268 = tpu.vector_load %arg11[%swap3A_267] {strides = array<i32>} : memref<16xf32, #tpu.memory_space<vmem>>, vector<16xf32>,
          %swap3A_269 = vector.shape_cast %swap3A_268 : vector<16xf32> to vector<16xf32>
          %swap3A_270 = vector.shape_cast %add3A_266 : vector<16xf32> to vector<16xf32>
          tpu.vector_store %arg11[%swap3A_267], %swap3A_270 {strides = array<i32>} : memref<16xf32, #tpu.memory_space<vmem>>, vector<16xf32>,
        } else {
        }
        %slice3A_145 = vector.extract_strided_slice %get3A_75 {offsets = [6], sizes = [1], strides = [1]} : vector<16xf32> to vector<1xf32>
        %squeeze3A_146 = vector.extract %slice3A_145[0] : f32 from vector<1xf32>
        %broadcast_in_dim3A_147 = vector.broadcast %squeeze3A_146 : f32 to vector<16xf32>
        %slice3A_148 = vector.extract_strided_slice %get3A_78 {offsets = [6], sizes = [1], strides = [1]} : vector<16xf32> to vector<1xf32>
        %squeeze3A_149 = vector.extract %slice3A_148[0] : f32 from vector<1xf32>
        %broadcast_in_dim3A_150 = vector.broadcast %squeeze3A_149 : f32 to vector<16xf32>
        %gt3A_151 = arith.constant 0.000000e+00 : f32
        %gt3A_152 = arith.cmpf ogt, %squeeze3A_146, %gt3A_151 : f32
        %convert_element_type3A_153 = arith.extui %gt3A_152 : i1 to i32
        %cond3A_154 = arith.constant 0 : i32
        %cond3A_155 = arith.cmpi ne, %convert_element_type3A_153, %cond3A_154 : i32
        scf.if %cond3A_155 {
          %broadcast_in_dim3A_255 = arith.constant 0.000000e+00 : f32
          %broadcast_in_dim3A_256 = vector.broadcast %broadcast_in_dim3A_255 : f32 to vector<16xf32>
          %scan3A_257 = arith.constant 0 : i32
          %scan3A_258 = arith.constant 768 : i32
          %scan3A_259 = arith.addi %scan3A_257, %scan3A_258 : i32
          %scan3A_260 = arith.constant 1 : i32
          %scan3A_261 = scf.for %scan3A_271 = %scan3A_257 to %scan3A_259 step %scan3A_260 iter_args(%scan3A_272 = %broadcast_in_dim3A_256) -> (vector<16xf32>)  : i32 {
            %mul3A_273 = arith.constant 16 : i32
            %mul3A_274 = arith.muli %scan3A_271, %mul3A_273 : i32
            %get3A_275 = arith.index_cast %mul3A_274 : i32 to index
            %get3A_276 = tpu.vector_load %arg10[%get3A_275] {strides = array<i32>} : memref<12288xf32, #tpu.memory_space<vmem>>, vector<16xf32>,
            %get3A_277 = vector.shape_cast %get3A_276 : vector<16xf32> to vector<16xf32>
            %add3A_278 = arith.addf %broadcast_in_dim3A_150, %get3A_277 : vector<16xf32>
            %max3A = arith.constant 0.000000e+00 : f32
            %max3A_279 = vector.broadcast %max3A : f32 to vector<16xf32>
            %max3A_280 = arith.maximumf %add3A_278, %max3A_279 : vector<16xf32>
            %mul3A_281 = arith.mulf %max3A_280, %max3A_280 : vector<16xf32>
            %gt3A_282 = arith.constant 0.000000e+00 : f32
            %gt3A_283 = vector.broadcast %gt3A_282 : f32 to vector<16xf32>
            %gt3A_284 = arith.cmpf ogt, %add3A_278, %gt3A_283 : vector<16xf32>
            %le3A = arith.cmpf ole, %mul3A_281, %broadcast_in_dim3A_147 : vector<16xf32>
            %and3A = arith.andi %gt3A_284, %le3A : vector<16xi1>
            %jit3A = arith.constant 0.000000e+00 : f32
            %broadcast_in_dim3A_285 = vector.broadcast %jit3A : f32 to vector<16xf32>
            %select_n3A = arith.select %and3A, %mul3A_281, %broadcast_in_dim3A_285 : vector<16xi1>, vector<16xf32>
            %add3A_286 = arith.addf %scan3A_272, %select_n3A : vector<16xf32>
            scf.yield %add3A_286 : vector<16xf32>
          }
          %scan3A_262 = arith.constant 768 : i32
          %get3A_263 = arith.constant 0 : index
          %get3A_264 = tpu.vector_load %arg11[%get3A_263] {strides = array<i32>} : memref<16xf32, #tpu.memory_space<vmem>>, vector<16xf32>,
          %get3A_265 = vector.shape_cast %get3A_264 : vector<16xf32> to vector<16xf32>
          %add3A_266 = arith.addf %get3A_265, %scan3A_261 : vector<16xf32>
          %swap3A_267 = arith.constant 0 : index
          %swap3A_268 = tpu.vector_load %arg11[%swap3A_267] {strides = array<i32>} : memref<16xf32, #tpu.memory_space<vmem>>, vector<16xf32>,
          %swap3A_269 = vector.shape_cast %swap3A_268 : vector<16xf32> to vector<16xf32>
          %swap3A_270 = vector.shape_cast %add3A_266 : vector<16xf32> to vector<16xf32>
          tpu.vector_store %arg11[%swap3A_267], %swap3A_270 {strides = array<i32>} : memref<16xf32, #tpu.memory_space<vmem>>, vector<16xf32>,
        } else {
        }
        %slice3A_156 = vector.extract_strided_slice %get3A_75 {offsets = [7], sizes = [1], strides = [1]} : vector<16xf32> to vector<1xf32>
        %squeeze3A_157 = vector.extract %slice3A_156[0] : f32 from vector<1xf32>
        %broadcast_in_dim3A_158 = vector.broadcast %squeeze3A_157 : f32 to vector<16xf32>
        %slice3A_159 = vector.extract_strided_slice %get3A_78 {offsets = [7], sizes = [1], strides = [1]} : vector<16xf32> to vector<1xf32>
        %squeeze3A_160 = vector.extract %slice3A_159[0] : f32 from vector<1xf32>
        %broadcast_in_dim3A_161 = vector.broadcast %squeeze3A_160 : f32 to vector<16xf32>
        %gt3A_162 = arith.constant 0.000000e+00 : f32
        %gt3A_163 = arith.cmpf ogt, %squeeze3A_157, %gt3A_162 : f32
        %convert_element_type3A_164 = arith.extui %gt3A_163 : i1 to i32
        %cond3A_165 = arith.constant 0 : i32
        %cond3A_166 = arith.cmpi ne, %convert_element_type3A_164, %cond3A_165 : i32
        scf.if %cond3A_166 {
          %broadcast_in_dim3A_255 = arith.constant 0.000000e+00 : f32
          %broadcast_in_dim3A_256 = vector.broadcast %broadcast_in_dim3A_255 : f32 to vector<16xf32>
          %scan3A_257 = arith.constant 0 : i32
          %scan3A_258 = arith.constant 768 : i32
          %scan3A_259 = arith.addi %scan3A_257, %scan3A_258 : i32
          %scan3A_260 = arith.constant 1 : i32
          %scan3A_261 = scf.for %scan3A_271 = %scan3A_257 to %scan3A_259 step %scan3A_260 iter_args(%scan3A_272 = %broadcast_in_dim3A_256) -> (vector<16xf32>)  : i32 {
            %mul3A_273 = arith.constant 16 : i32
            %mul3A_274 = arith.muli %scan3A_271, %mul3A_273 : i32
            %get3A_275 = arith.index_cast %mul3A_274 : i32 to index
            %get3A_276 = tpu.vector_load %arg10[%get3A_275] {strides = array<i32>} : memref<12288xf32, #tpu.memory_space<vmem>>, vector<16xf32>,
            %get3A_277 = vector.shape_cast %get3A_276 : vector<16xf32> to vector<16xf32>
            %add3A_278 = arith.addf %broadcast_in_dim3A_161, %get3A_277 : vector<16xf32>
            %max3A = arith.constant 0.000000e+00 : f32
            %max3A_279 = vector.broadcast %max3A : f32 to vector<16xf32>
            %max3A_280 = arith.maximumf %add3A_278, %max3A_279 : vector<16xf32>
            %mul3A_281 = arith.mulf %max3A_280, %max3A_280 : vector<16xf32>
            %gt3A_282 = arith.constant 0.000000e+00 : f32
            %gt3A_283 = vector.broadcast %gt3A_282 : f32 to vector<16xf32>
            %gt3A_284 = arith.cmpf ogt, %add3A_278, %gt3A_283 : vector<16xf32>
            %le3A = arith.cmpf ole, %mul3A_281, %broadcast_in_dim3A_158 : vector<16xf32>
            %and3A = arith.andi %gt3A_284, %le3A : vector<16xi1>
            %jit3A = arith.constant 0.000000e+00 : f32
            %broadcast_in_dim3A_285 = vector.broadcast %jit3A : f32 to vector<16xf32>
            %select_n3A = arith.select %and3A, %mul3A_281, %broadcast_in_dim3A_285 : vector<16xi1>, vector<16xf32>
            %add3A_286 = arith.addf %scan3A_272, %select_n3A : vector<16xf32>
            scf.yield %add3A_286 : vector<16xf32>
          }
          %scan3A_262 = arith.constant 768 : i32
          %get3A_263 = arith.constant 0 : index
          %get3A_264 = tpu.vector_load %arg11[%get3A_263] {strides = array<i32>} : memref<16xf32, #tpu.memory_space<vmem>>, vector<16xf32>,
          %get3A_265 = vector.shape_cast %get3A_264 : vector<16xf32> to vector<16xf32>
          %add3A_266 = arith.addf %get3A_265, %scan3A_261 : vector<16xf32>
          %swap3A_267 = arith.constant 0 : index
          %swap3A_268 = tpu.vector_load %arg11[%swap3A_267] {strides = array<i32>} : memref<16xf32, #tpu.memory_space<vmem>>, vector<16xf32>,
          %swap3A_269 = vector.shape_cast %swap3A_268 : vector<16xf32> to vector<16xf32>
          %swap3A_270 = vector.shape_cast %add3A_266 : vector<16xf32> to vector<16xf32>
          tpu.vector_store %arg11[%swap3A_267], %swap3A_270 {strides = array<i32>} : memref<16xf32, #tpu.memory_space<vmem>>, vector<16xf32>,
        } else {
        }
        %slice3A_167 = vector.extract_strided_slice %get3A_75 {offsets = [8], sizes = [1], strides = [1]} : vector<16xf32> to vector<1xf32>
        %squeeze3A_168 = vector.extract %slice3A_167[0] : f32 from vector<1xf32>
        %broadcast_in_dim3A_169 = vector.broadcast %squeeze3A_168 : f32 to vector<16xf32>
        %slice3A_170 = vector.extract_strided_slice %get3A_78 {offsets = [8], sizes = [1], strides = [1]} : vector<16xf32> to vector<1xf32>
        %squeeze3A_171 = vector.extract %slice3A_170[0] : f32 from vector<1xf32>
        %broadcast_in_dim3A_172 = vector.broadcast %squeeze3A_171 : f32 to vector<16xf32>
        %gt3A_173 = arith.constant 0.000000e+00 : f32
        %gt3A_174 = arith.cmpf ogt, %squeeze3A_168, %gt3A_173 : f32
        %convert_element_type3A_175 = arith.extui %gt3A_174 : i1 to i32
        %cond3A_176 = arith.constant 0 : i32
        %cond3A_177 = arith.cmpi ne, %convert_element_type3A_175, %cond3A_176 : i32
        scf.if %cond3A_177 {
          %broadcast_in_dim3A_255 = arith.constant 0.000000e+00 : f32
          %broadcast_in_dim3A_256 = vector.broadcast %broadcast_in_dim3A_255 : f32 to vector<16xf32>
          %scan3A_257 = arith.constant 0 : i32
          %scan3A_258 = arith.constant 768 : i32
          %scan3A_259 = arith.addi %scan3A_257, %scan3A_258 : i32
          %scan3A_260 = arith.constant 1 : i32
          %scan3A_261 = scf.for %scan3A_271 = %scan3A_257 to %scan3A_259 step %scan3A_260 iter_args(%scan3A_272 = %broadcast_in_dim3A_256) -> (vector<16xf32>)  : i32 {
            %mul3A_273 = arith.constant 16 : i32
            %mul3A_274 = arith.muli %scan3A_271, %mul3A_273 : i32
            %get3A_275 = arith.index_cast %mul3A_274 : i32 to index
            %get3A_276 = tpu.vector_load %arg10[%get3A_275] {strides = array<i32>} : memref<12288xf32, #tpu.memory_space<vmem>>, vector<16xf32>,
            %get3A_277 = vector.shape_cast %get3A_276 : vector<16xf32> to vector<16xf32>
            %add3A_278 = arith.addf %broadcast_in_dim3A_172, %get3A_277 : vector<16xf32>
            %max3A = arith.constant 0.000000e+00 : f32
            %max3A_279 = vector.broadcast %max3A : f32 to vector<16xf32>
            %max3A_280 = arith.maximumf %add3A_278, %max3A_279 : vector<16xf32>
            %mul3A_281 = arith.mulf %max3A_280, %max3A_280 : vector<16xf32>
            %gt3A_282 = arith.constant 0.000000e+00 : f32
            %gt3A_283 = vector.broadcast %gt3A_282 : f32 to vector<16xf32>
            %gt3A_284 = arith.cmpf ogt, %add3A_278, %gt3A_283 : vector<16xf32>
            %le3A = arith.cmpf ole, %mul3A_281, %broadcast_in_dim3A_169 : vector<16xf32>
            %and3A = arith.andi %gt3A_284, %le3A : vector<16xi1>
            %jit3A = arith.constant 0.000000e+00 : f32
            %broadcast_in_dim3A_285 = vector.broadcast %jit3A : f32 to vector<16xf32>
            %select_n3A = arith.select %and3A, %mul3A_281, %broadcast_in_dim3A_285 : vector<16xi1>, vector<16xf32>
            %add3A_286 = arith.addf %scan3A_272, %select_n3A : vector<16xf32>
            scf.yield %add3A_286 : vector<16xf32>
          }
          %scan3A_262 = arith.constant 768 : i32
          %get3A_263 = arith.constant 0 : index
          %get3A_264 = tpu.vector_load %arg11[%get3A_263] {strides = array<i32>} : memref<16xf32, #tpu.memory_space<vmem>>, vector<16xf32>,
          %get3A_265 = vector.shape_cast %get3A_264 : vector<16xf32> to vector<16xf32>
          %add3A_266 = arith.addf %get3A_265, %scan3A_261 : vector<16xf32>
          %swap3A_267 = arith.constant 0 : index
          %swap3A_268 = tpu.vector_load %arg11[%swap3A_267] {strides = array<i32>} : memref<16xf32, #tpu.memory_space<vmem>>, vector<16xf32>,
          %swap3A_269 = vector.shape_cast %swap3A_268 : vector<16xf32> to vector<16xf32>
          %swap3A_270 = vector.shape_cast %add3A_266 : vector<16xf32> to vector<16xf32>
          tpu.vector_store %arg11[%swap3A_267], %swap3A_270 {strides = array<i32>} : memref<16xf32, #tpu.memory_space<vmem>>, vector<16xf32>,
        } else {
        }
        %slice3A_178 = vector.extract_strided_slice %get3A_75 {offsets = [9], sizes = [1], strides = [1]} : vector<16xf32> to vector<1xf32>
        %squeeze3A_179 = vector.extract %slice3A_178[0] : f32 from vector<1xf32>
        %broadcast_in_dim3A_180 = vector.broadcast %squeeze3A_179 : f32 to vector<16xf32>
        %slice3A_181 = vector.extract_strided_slice %get3A_78 {offsets = [9], sizes = [1], strides = [1]} : vector<16xf32> to vector<1xf32>
        %squeeze3A_182 = vector.extract %slice3A_181[0] : f32 from vector<1xf32>
        %broadcast_in_dim3A_183 = vector.broadcast %squeeze3A_182 : f32 to vector<16xf32>
        %gt3A_184 = arith.constant 0.000000e+00 : f32
        %gt3A_185 = arith.cmpf ogt, %squeeze3A_179, %gt3A_184 : f32
        %convert_element_type3A_186 = arith.extui %gt3A_185 : i1 to i32
        %cond3A_187 = arith.constant 0 : i32
        %cond3A_188 = arith.cmpi ne, %convert_element_type3A_186, %cond3A_187 : i32
        scf.if %cond3A_188 {
          %broadcast_in_dim3A_255 = arith.constant 0.000000e+00 : f32
          %broadcast_in_dim3A_256 = vector.broadcast %broadcast_in_dim3A_255 : f32 to vector<16xf32>
          %scan3A_257 = arith.constant 0 : i32
          %scan3A_258 = arith.constant 768 : i32
          %scan3A_259 = arith.addi %scan3A_257, %scan3A_258 : i32
          %scan3A_260 = arith.constant 1 : i32
          %scan3A_261 = scf.for %scan3A_271 = %scan3A_257 to %scan3A_259 step %scan3A_260 iter_args(%scan3A_272 = %broadcast_in_dim3A_256) -> (vector<16xf32>)  : i32 {
            %mul3A_273 = arith.constant 16 : i32
            %mul3A_274 = arith.muli %scan3A_271, %mul3A_273 : i32
            %get3A_275 = arith.index_cast %mul3A_274 : i32 to index
            %get3A_276 = tpu.vector_load %arg10[%get3A_275] {strides = array<i32>} : memref<12288xf32, #tpu.memory_space<vmem>>, vector<16xf32>,
            %get3A_277 = vector.shape_cast %get3A_276 : vector<16xf32> to vector<16xf32>
            %add3A_278 = arith.addf %broadcast_in_dim3A_183, %get3A_277 : vector<16xf32>
            %max3A = arith.constant 0.000000e+00 : f32
            %max3A_279 = vector.broadcast %max3A : f32 to vector<16xf32>
            %max3A_280 = arith.maximumf %add3A_278, %max3A_279 : vector<16xf32>
            %mul3A_281 = arith.mulf %max3A_280, %max3A_280 : vector<16xf32>
            %gt3A_282 = arith.constant 0.000000e+00 : f32
            %gt3A_283 = vector.broadcast %gt3A_282 : f32 to vector<16xf32>
            %gt3A_284 = arith.cmpf ogt, %add3A_278, %gt3A_283 : vector<16xf32>
            %le3A = arith.cmpf ole, %mul3A_281, %broadcast_in_dim3A_180 : vector<16xf32>
            %and3A = arith.andi %gt3A_284, %le3A : vector<16xi1>
            %jit3A = arith.constant 0.000000e+00 : f32
            %broadcast_in_dim3A_285 = vector.broadcast %jit3A : f32 to vector<16xf32>
            %select_n3A = arith.select %and3A, %mul3A_281, %broadcast_in_dim3A_285 : vector<16xi1>, vector<16xf32>
            %add3A_286 = arith.addf %scan3A_272, %select_n3A : vector<16xf32>
            scf.yield %add3A_286 : vector<16xf32>
          }
          %scan3A_262 = arith.constant 768 : i32
          %get3A_263 = arith.constant 0 : index
          %get3A_264 = tpu.vector_load %arg11[%get3A_263] {strides = array<i32>} : memref<16xf32, #tpu.memory_space<vmem>>, vector<16xf32>,
          %get3A_265 = vector.shape_cast %get3A_264 : vector<16xf32> to vector<16xf32>
          %add3A_266 = arith.addf %get3A_265, %scan3A_261 : vector<16xf32>
          %swap3A_267 = arith.constant 0 : index
          %swap3A_268 = tpu.vector_load %arg11[%swap3A_267] {strides = array<i32>} : memref<16xf32, #tpu.memory_space<vmem>>, vector<16xf32>,
          %swap3A_269 = vector.shape_cast %swap3A_268 : vector<16xf32> to vector<16xf32>
          %swap3A_270 = vector.shape_cast %add3A_266 : vector<16xf32> to vector<16xf32>
          tpu.vector_store %arg11[%swap3A_267], %swap3A_270 {strides = array<i32>} : memref<16xf32, #tpu.memory_space<vmem>>, vector<16xf32>,
        } else {
        }
        %slice3A_189 = vector.extract_strided_slice %get3A_75 {offsets = [10], sizes = [1], strides = [1]} : vector<16xf32> to vector<1xf32>
        %squeeze3A_190 = vector.extract %slice3A_189[0] : f32 from vector<1xf32>
        %broadcast_in_dim3A_191 = vector.broadcast %squeeze3A_190 : f32 to vector<16xf32>
        %slice3A_192 = vector.extract_strided_slice %get3A_78 {offsets = [10], sizes = [1], strides = [1]} : vector<16xf32> to vector<1xf32>
        %squeeze3A_193 = vector.extract %slice3A_192[0] : f32 from vector<1xf32>
        %broadcast_in_dim3A_194 = vector.broadcast %squeeze3A_193 : f32 to vector<16xf32>
        %gt3A_195 = arith.constant 0.000000e+00 : f32
        %gt3A_196 = arith.cmpf ogt, %squeeze3A_190, %gt3A_195 : f32
        %convert_element_type3A_197 = arith.extui %gt3A_196 : i1 to i32
        %cond3A_198 = arith.constant 0 : i32
        %cond3A_199 = arith.cmpi ne, %convert_element_type3A_197, %cond3A_198 : i32
        scf.if %cond3A_199 {
          %broadcast_in_dim3A_255 = arith.constant 0.000000e+00 : f32
          %broadcast_in_dim3A_256 = vector.broadcast %broadcast_in_dim3A_255 : f32 to vector<16xf32>
          %scan3A_257 = arith.constant 0 : i32
          %scan3A_258 = arith.constant 768 : i32
          %scan3A_259 = arith.addi %scan3A_257, %scan3A_258 : i32
          %scan3A_260 = arith.constant 1 : i32
          %scan3A_261 = scf.for %scan3A_271 = %scan3A_257 to %scan3A_259 step %scan3A_260 iter_args(%scan3A_272 = %broadcast_in_dim3A_256) -> (vector<16xf32>)  : i32 {
            %mul3A_273 = arith.constant 16 : i32
            %mul3A_274 = arith.muli %scan3A_271, %mul3A_273 : i32
            %get3A_275 = arith.index_cast %mul3A_274 : i32 to index
            %get3A_276 = tpu.vector_load %arg10[%get3A_275] {strides = array<i32>} : memref<12288xf32, #tpu.memory_space<vmem>>, vector<16xf32>,
            %get3A_277 = vector.shape_cast %get3A_276 : vector<16xf32> to vector<16xf32>
            %add3A_278 = arith.addf %broadcast_in_dim3A_194, %get3A_277 : vector<16xf32>
            %max3A = arith.constant 0.000000e+00 : f32
            %max3A_279 = vector.broadcast %max3A : f32 to vector<16xf32>
            %max3A_280 = arith.maximumf %add3A_278, %max3A_279 : vector<16xf32>
            %mul3A_281 = arith.mulf %max3A_280, %max3A_280 : vector<16xf32>
            %gt3A_282 = arith.constant 0.000000e+00 : f32
            %gt3A_283 = vector.broadcast %gt3A_282 : f32 to vector<16xf32>
            %gt3A_284 = arith.cmpf ogt, %add3A_278, %gt3A_283 : vector<16xf32>
            %le3A = arith.cmpf ole, %mul3A_281, %broadcast_in_dim3A_191 : vector<16xf32>
            %and3A = arith.andi %gt3A_284, %le3A : vector<16xi1>
            %jit3A = arith.constant 0.000000e+00 : f32
            %broadcast_in_dim3A_285 = vector.broadcast %jit3A : f32 to vector<16xf32>
            %select_n3A = arith.select %and3A, %mul3A_281, %broadcast_in_dim3A_285 : vector<16xi1>, vector<16xf32>
            %add3A_286 = arith.addf %scan3A_272, %select_n3A : vector<16xf32>
            scf.yield %add3A_286 : vector<16xf32>
          }
          %scan3A_262 = arith.constant 768 : i32
          %get3A_263 = arith.constant 0 : index
          %get3A_264 = tpu.vector_load %arg11[%get3A_263] {strides = array<i32>} : memref<16xf32, #tpu.memory_space<vmem>>, vector<16xf32>,
          %get3A_265 = vector.shape_cast %get3A_264 : vector<16xf32> to vector<16xf32>
          %add3A_266 = arith.addf %get3A_265, %scan3A_261 : vector<16xf32>
          %swap3A_267 = arith.constant 0 : index
          %swap3A_268 = tpu.vector_load %arg11[%swap3A_267] {strides = array<i32>} : memref<16xf32, #tpu.memory_space<vmem>>, vector<16xf32>,
          %swap3A_269 = vector.shape_cast %swap3A_268 : vector<16xf32> to vector<16xf32>
          %swap3A_270 = vector.shape_cast %add3A_266 : vector<16xf32> to vector<16xf32>
          tpu.vector_store %arg11[%swap3A_267], %swap3A_270 {strides = array<i32>} : memref<16xf32, #tpu.memory_space<vmem>>, vector<16xf32>,
        } else {
        }
        %slice3A_200 = vector.extract_strided_slice %get3A_75 {offsets = [11], sizes = [1], strides = [1]} : vector<16xf32> to vector<1xf32>
        %squeeze3A_201 = vector.extract %slice3A_200[0] : f32 from vector<1xf32>
        %broadcast_in_dim3A_202 = vector.broadcast %squeeze3A_201 : f32 to vector<16xf32>
        %slice3A_203 = vector.extract_strided_slice %get3A_78 {offsets = [11], sizes = [1], strides = [1]} : vector<16xf32> to vector<1xf32>
        %squeeze3A_204 = vector.extract %slice3A_203[0] : f32 from vector<1xf32>
        %broadcast_in_dim3A_205 = vector.broadcast %squeeze3A_204 : f32 to vector<16xf32>
        %gt3A_206 = arith.constant 0.000000e+00 : f32
        %gt3A_207 = arith.cmpf ogt, %squeeze3A_201, %gt3A_206 : f32
        %convert_element_type3A_208 = arith.extui %gt3A_207 : i1 to i32
        %cond3A_209 = arith.constant 0 : i32
        %cond3A_210 = arith.cmpi ne, %convert_element_type3A_208, %cond3A_209 : i32
        scf.if %cond3A_210 {
          %broadcast_in_dim3A_255 = arith.constant 0.000000e+00 : f32
          %broadcast_in_dim3A_256 = vector.broadcast %broadcast_in_dim3A_255 : f32 to vector<16xf32>
          %scan3A_257 = arith.constant 0 : i32
          %scan3A_258 = arith.constant 768 : i32
          %scan3A_259 = arith.addi %scan3A_257, %scan3A_258 : i32
          %scan3A_260 = arith.constant 1 : i32
          %scan3A_261 = scf.for %scan3A_271 = %scan3A_257 to %scan3A_259 step %scan3A_260 iter_args(%scan3A_272 = %broadcast_in_dim3A_256) -> (vector<16xf32>)  : i32 {
            %mul3A_273 = arith.constant 16 : i32
            %mul3A_274 = arith.muli %scan3A_271, %mul3A_273 : i32
            %get3A_275 = arith.index_cast %mul3A_274 : i32 to index
            %get3A_276 = tpu.vector_load %arg10[%get3A_275] {strides = array<i32>} : memref<12288xf32, #tpu.memory_space<vmem>>, vector<16xf32>,
            %get3A_277 = vector.shape_cast %get3A_276 : vector<16xf32> to vector<16xf32>
            %add3A_278 = arith.addf %broadcast_in_dim3A_205, %get3A_277 : vector<16xf32>
            %max3A = arith.constant 0.000000e+00 : f32
            %max3A_279 = vector.broadcast %max3A : f32 to vector<16xf32>
            %max3A_280 = arith.maximumf %add3A_278, %max3A_279 : vector<16xf32>
            %mul3A_281 = arith.mulf %max3A_280, %max3A_280 : vector<16xf32>
            %gt3A_282 = arith.constant 0.000000e+00 : f32
            %gt3A_283 = vector.broadcast %gt3A_282 : f32 to vector<16xf32>
            %gt3A_284 = arith.cmpf ogt, %add3A_278, %gt3A_283 : vector<16xf32>
            %le3A = arith.cmpf ole, %mul3A_281, %broadcast_in_dim3A_202 : vector<16xf32>
            %and3A = arith.andi %gt3A_284, %le3A : vector<16xi1>
            %jit3A = arith.constant 0.000000e+00 : f32
            %broadcast_in_dim3A_285 = vector.broadcast %jit3A : f32 to vector<16xf32>
            %select_n3A = arith.select %and3A, %mul3A_281, %broadcast_in_dim3A_285 : vector<16xi1>, vector<16xf32>
            %add3A_286 = arith.addf %scan3A_272, %select_n3A : vector<16xf32>
            scf.yield %add3A_286 : vector<16xf32>
          }
          %scan3A_262 = arith.constant 768 : i32
          %get3A_263 = arith.constant 0 : index
          %get3A_264 = tpu.vector_load %arg11[%get3A_263] {strides = array<i32>} : memref<16xf32, #tpu.memory_space<vmem>>, vector<16xf32>,
          %get3A_265 = vector.shape_cast %get3A_264 : vector<16xf32> to vector<16xf32>
          %add3A_266 = arith.addf %get3A_265, %scan3A_261 : vector<16xf32>
          %swap3A_267 = arith.constant 0 : index
          %swap3A_268 = tpu.vector_load %arg11[%swap3A_267] {strides = array<i32>} : memref<16xf32, #tpu.memory_space<vmem>>, vector<16xf32>,
          %swap3A_269 = vector.shape_cast %swap3A_268 : vector<16xf32> to vector<16xf32>
          %swap3A_270 = vector.shape_cast %add3A_266 : vector<16xf32> to vector<16xf32>
          tpu.vector_store %arg11[%swap3A_267], %swap3A_270 {strides = array<i32>} : memref<16xf32, #tpu.memory_space<vmem>>, vector<16xf32>,
        } else {
        }
        %slice3A_211 = vector.extract_strided_slice %get3A_75 {offsets = [12], sizes = [1], strides = [1]} : vector<16xf32> to vector<1xf32>
        %squeeze3A_212 = vector.extract %slice3A_211[0] : f32 from vector<1xf32>
        %broadcast_in_dim3A_213 = vector.broadcast %squeeze3A_212 : f32 to vector<16xf32>
        %slice3A_214 = vector.extract_strided_slice %get3A_78 {offsets = [12], sizes = [1], strides = [1]} : vector<16xf32> to vector<1xf32>
        %squeeze3A_215 = vector.extract %slice3A_214[0] : f32 from vector<1xf32>
        %broadcast_in_dim3A_216 = vector.broadcast %squeeze3A_215 : f32 to vector<16xf32>
        %gt3A_217 = arith.constant 0.000000e+00 : f32
        %gt3A_218 = arith.cmpf ogt, %squeeze3A_212, %gt3A_217 : f32
        %convert_element_type3A_219 = arith.extui %gt3A_218 : i1 to i32
        %cond3A_220 = arith.constant 0 : i32
        %cond3A_221 = arith.cmpi ne, %convert_element_type3A_219, %cond3A_220 : i32
        scf.if %cond3A_221 {
          %broadcast_in_dim3A_255 = arith.constant 0.000000e+00 : f32
          %broadcast_in_dim3A_256 = vector.broadcast %broadcast_in_dim3A_255 : f32 to vector<16xf32>
          %scan3A_257 = arith.constant 0 : i32
          %scan3A_258 = arith.constant 768 : i32
          %scan3A_259 = arith.addi %scan3A_257, %scan3A_258 : i32
          %scan3A_260 = arith.constant 1 : i32
          %scan3A_261 = scf.for %scan3A_271 = %scan3A_257 to %scan3A_259 step %scan3A_260 iter_args(%scan3A_272 = %broadcast_in_dim3A_256) -> (vector<16xf32>)  : i32 {
            %mul3A_273 = arith.constant 16 : i32
            %mul3A_274 = arith.muli %scan3A_271, %mul3A_273 : i32
            %get3A_275 = arith.index_cast %mul3A_274 : i32 to index
            %get3A_276 = tpu.vector_load %arg10[%get3A_275] {strides = array<i32>} : memref<12288xf32, #tpu.memory_space<vmem>>, vector<16xf32>,
            %get3A_277 = vector.shape_cast %get3A_276 : vector<16xf32> to vector<16xf32>
            %add3A_278 = arith.addf %broadcast_in_dim3A_216, %get3A_277 : vector<16xf32>
            %max3A = arith.constant 0.000000e+00 : f32
            %max3A_279 = vector.broadcast %max3A : f32 to vector<16xf32>
            %max3A_280 = arith.maximumf %add3A_278, %max3A_279 : vector<16xf32>
            %mul3A_281 = arith.mulf %max3A_280, %max3A_280 : vector<16xf32>
            %gt3A_282 = arith.constant 0.000000e+00 : f32
            %gt3A_283 = vector.broadcast %gt3A_282 : f32 to vector<16xf32>
            %gt3A_284 = arith.cmpf ogt, %add3A_278, %gt3A_283 : vector<16xf32>
            %le3A = arith.cmpf ole, %mul3A_281, %broadcast_in_dim3A_213 : vector<16xf32>
            %and3A = arith.andi %gt3A_284, %le3A : vector<16xi1>
            %jit3A = arith.constant 0.000000e+00 : f32
            %broadcast_in_dim3A_285 = vector.broadcast %jit3A : f32 to vector<16xf32>
            %select_n3A = arith.select %and3A, %mul3A_281, %broadcast_in_dim3A_285 : vector<16xi1>, vector<16xf32>
            %add3A_286 = arith.addf %scan3A_272, %select_n3A : vector<16xf32>
            scf.yield %add3A_286 : vector<16xf32>
          }
          %scan3A_262 = arith.constant 768 : i32
          %get3A_263 = arith.constant 0 : index
          %get3A_264 = tpu.vector_load %arg11[%get3A_263] {strides = array<i32>} : memref<16xf32, #tpu.memory_space<vmem>>, vector<16xf32>,
          %get3A_265 = vector.shape_cast %get3A_264 : vector<16xf32> to vector<16xf32>
          %add3A_266 = arith.addf %get3A_265, %scan3A_261 : vector<16xf32>
          %swap3A_267 = arith.constant 0 : index
          %swap3A_268 = tpu.vector_load %arg11[%swap3A_267] {strides = array<i32>} : memref<16xf32, #tpu.memory_space<vmem>>, vector<16xf32>,
          %swap3A_269 = vector.shape_cast %swap3A_268 : vector<16xf32> to vector<16xf32>
          %swap3A_270 = vector.shape_cast %add3A_266 : vector<16xf32> to vector<16xf32>
          tpu.vector_store %arg11[%swap3A_267], %swap3A_270 {strides = array<i32>} : memref<16xf32, #tpu.memory_space<vmem>>, vector<16xf32>,
        } else {
        }
        %slice3A_222 = vector.extract_strided_slice %get3A_75 {offsets = [13], sizes = [1], strides = [1]} : vector<16xf32> to vector<1xf32>
        %squeeze3A_223 = vector.extract %slice3A_222[0] : f32 from vector<1xf32>
        %broadcast_in_dim3A_224 = vector.broadcast %squeeze3A_223 : f32 to vector<16xf32>
        %slice3A_225 = vector.extract_strided_slice %get3A_78 {offsets = [13], sizes = [1], strides = [1]} : vector<16xf32> to vector<1xf32>
        %squeeze3A_226 = vector.extract %slice3A_225[0] : f32 from vector<1xf32>
        %broadcast_in_dim3A_227 = vector.broadcast %squeeze3A_226 : f32 to vector<16xf32>
        %gt3A_228 = arith.constant 0.000000e+00 : f32
        %gt3A_229 = arith.cmpf ogt, %squeeze3A_223, %gt3A_228 : f32
        %convert_element_type3A_230 = arith.extui %gt3A_229 : i1 to i32
        %cond3A_231 = arith.constant 0 : i32
        %cond3A_232 = arith.cmpi ne, %convert_element_type3A_230, %cond3A_231 : i32
        scf.if %cond3A_232 {
          %broadcast_in_dim3A_255 = arith.constant 0.000000e+00 : f32
          %broadcast_in_dim3A_256 = vector.broadcast %broadcast_in_dim3A_255 : f32 to vector<16xf32>
          %scan3A_257 = arith.constant 0 : i32
          %scan3A_258 = arith.constant 768 : i32
          %scan3A_259 = arith.addi %scan3A_257, %scan3A_258 : i32
          %scan3A_260 = arith.constant 1 : i32
          %scan3A_261 = scf.for %scan3A_271 = %scan3A_257 to %scan3A_259 step %scan3A_260 iter_args(%scan3A_272 = %broadcast_in_dim3A_256) -> (vector<16xf32>)  : i32 {
            %mul3A_273 = arith.constant 16 : i32
            %mul3A_274 = arith.muli %scan3A_271, %mul3A_273 : i32
            %get3A_275 = arith.index_cast %mul3A_274 : i32 to index
            %get3A_276 = tpu.vector_load %arg10[%get3A_275] {strides = array<i32>} : memref<12288xf32, #tpu.memory_space<vmem>>, vector<16xf32>,
            %get3A_277 = vector.shape_cast %get3A_276 : vector<16xf32> to vector<16xf32>
            %add3A_278 = arith.addf %broadcast_in_dim3A_227, %get3A_277 : vector<16xf32>
            %max3A = arith.constant 0.000000e+00 : f32
            %max3A_279 = vector.broadcast %max3A : f32 to vector<16xf32>
            %max3A_280 = arith.maximumf %add3A_278, %max3A_279 : vector<16xf32>
            %mul3A_281 = arith.mulf %max3A_280, %max3A_280 : vector<16xf32>
            %gt3A_282 = arith.constant 0.000000e+00 : f32
            %gt3A_283 = vector.broadcast %gt3A_282 : f32 to vector<16xf32>
            %gt3A_284 = arith.cmpf ogt, %add3A_278, %gt3A_283 : vector<16xf32>
            %le3A = arith.cmpf ole, %mul3A_281, %broadcast_in_dim3A_224 : vector<16xf32>
            %and3A = arith.andi %gt3A_284, %le3A : vector<16xi1>
            %jit3A = arith.constant 0.000000e+00 : f32
            %broadcast_in_dim3A_285 = vector.broadcast %jit3A : f32 to vector<16xf32>
            %select_n3A = arith.select %and3A, %mul3A_281, %broadcast_in_dim3A_285 : vector<16xi1>, vector<16xf32>
            %add3A_286 = arith.addf %scan3A_272, %select_n3A : vector<16xf32>
            scf.yield %add3A_286 : vector<16xf32>
          }
          %scan3A_262 = arith.constant 768 : i32
          %get3A_263 = arith.constant 0 : index
          %get3A_264 = tpu.vector_load %arg11[%get3A_263] {strides = array<i32>} : memref<16xf32, #tpu.memory_space<vmem>>, vector<16xf32>,
          %get3A_265 = vector.shape_cast %get3A_264 : vector<16xf32> to vector<16xf32>
          %add3A_266 = arith.addf %get3A_265, %scan3A_261 : vector<16xf32>
          %swap3A_267 = arith.constant 0 : index
          %swap3A_268 = tpu.vector_load %arg11[%swap3A_267] {strides = array<i32>} : memref<16xf32, #tpu.memory_space<vmem>>, vector<16xf32>,
          %swap3A_269 = vector.shape_cast %swap3A_268 : vector<16xf32> to vector<16xf32>
          %swap3A_270 = vector.shape_cast %add3A_266 : vector<16xf32> to vector<16xf32>
          tpu.vector_store %arg11[%swap3A_267], %swap3A_270 {strides = array<i32>} : memref<16xf32, #tpu.memory_space<vmem>>, vector<16xf32>,
        } else {
        }
        %slice3A_233 = vector.extract_strided_slice %get3A_75 {offsets = [14], sizes = [1], strides = [1]} : vector<16xf32> to vector<1xf32>
        %squeeze3A_234 = vector.extract %slice3A_233[0] : f32 from vector<1xf32>
        %broadcast_in_dim3A_235 = vector.broadcast %squeeze3A_234 : f32 to vector<16xf32>
        %slice3A_236 = vector.extract_strided_slice %get3A_78 {offsets = [14], sizes = [1], strides = [1]} : vector<16xf32> to vector<1xf32>
        %squeeze3A_237 = vector.extract %slice3A_236[0] : f32 from vector<1xf32>
        %broadcast_in_dim3A_238 = vector.broadcast %squeeze3A_237 : f32 to vector<16xf32>
        %gt3A_239 = arith.constant 0.000000e+00 : f32
        %gt3A_240 = arith.cmpf ogt, %squeeze3A_234, %gt3A_239 : f32
        %convert_element_type3A_241 = arith.extui %gt3A_240 : i1 to i32
        %cond3A_242 = arith.constant 0 : i32
        %cond3A_243 = arith.cmpi ne, %convert_element_type3A_241, %cond3A_242 : i32
        scf.if %cond3A_243 {
          %broadcast_in_dim3A_255 = arith.constant 0.000000e+00 : f32
          %broadcast_in_dim3A_256 = vector.broadcast %broadcast_in_dim3A_255 : f32 to vector<16xf32>
          %scan3A_257 = arith.constant 0 : i32
          %scan3A_258 = arith.constant 768 : i32
          %scan3A_259 = arith.addi %scan3A_257, %scan3A_258 : i32
          %scan3A_260 = arith.constant 1 : i32
          %scan3A_261 = scf.for %scan3A_271 = %scan3A_257 to %scan3A_259 step %scan3A_260 iter_args(%scan3A_272 = %broadcast_in_dim3A_256) -> (vector<16xf32>)  : i32 {
            %mul3A_273 = arith.constant 16 : i32
            %mul3A_274 = arith.muli %scan3A_271, %mul3A_273 : i32
            %get3A_275 = arith.index_cast %mul3A_274 : i32 to index
            %get3A_276 = tpu.vector_load %arg10[%get3A_275] {strides = array<i32>} : memref<12288xf32, #tpu.memory_space<vmem>>, vector<16xf32>,
            %get3A_277 = vector.shape_cast %get3A_276 : vector<16xf32> to vector<16xf32>
            %add3A_278 = arith.addf %broadcast_in_dim3A_238, %get3A_277 : vector<16xf32>
            %max3A = arith.constant 0.000000e+00 : f32
            %max3A_279 = vector.broadcast %max3A : f32 to vector<16xf32>
            %max3A_280 = arith.maximumf %add3A_278, %max3A_279 : vector<16xf32>
            %mul3A_281 = arith.mulf %max3A_280, %max3A_280 : vector<16xf32>
            %gt3A_282 = arith.constant 0.000000e+00 : f32
            %gt3A_283 = vector.broadcast %gt3A_282 : f32 to vector<16xf32>
            %gt3A_284 = arith.cmpf ogt, %add3A_278, %gt3A_283 : vector<16xf32>
            %le3A = arith.cmpf ole, %mul3A_281, %broadcast_in_dim3A_235 : vector<16xf32>
            %and3A = arith.andi %gt3A_284, %le3A : vector<16xi1>
            %jit3A = arith.constant 0.000000e+00 : f32
            %broadcast_in_dim3A_285 = vector.broadcast %jit3A : f32 to vector<16xf32>
            %select_n3A = arith.select %and3A, %mul3A_281, %broadcast_in_dim3A_285 : vector<16xi1>, vector<16xf32>
            %add3A_286 = arith.addf %scan3A_272, %select_n3A : vector<16xf32>
            scf.yield %add3A_286 : vector<16xf32>
          }
          %scan3A_262 = arith.constant 768 : i32
          %get3A_263 = arith.constant 0 : index
          %get3A_264 = tpu.vector_load %arg11[%get3A_263] {strides = array<i32>} : memref<16xf32, #tpu.memory_space<vmem>>, vector<16xf32>,
          %get3A_265 = vector.shape_cast %get3A_264 : vector<16xf32> to vector<16xf32>
          %add3A_266 = arith.addf %get3A_265, %scan3A_261 : vector<16xf32>
          %swap3A_267 = arith.constant 0 : index
          %swap3A_268 = tpu.vector_load %arg11[%swap3A_267] {strides = array<i32>} : memref<16xf32, #tpu.memory_space<vmem>>, vector<16xf32>,
          %swap3A_269 = vector.shape_cast %swap3A_268 : vector<16xf32> to vector<16xf32>
          %swap3A_270 = vector.shape_cast %add3A_266 : vector<16xf32> to vector<16xf32>
          tpu.vector_store %arg11[%swap3A_267], %swap3A_270 {strides = array<i32>} : memref<16xf32, #tpu.memory_space<vmem>>, vector<16xf32>,
        } else {
        }
        %slice3A_244 = vector.extract_strided_slice %get3A_75 {offsets = [15], sizes = [1], strides = [1]} : vector<16xf32> to vector<1xf32>
        %squeeze3A_245 = vector.extract %slice3A_244[0] : f32 from vector<1xf32>
        %broadcast_in_dim3A_246 = vector.broadcast %squeeze3A_245 : f32 to vector<16xf32>
        %slice3A_247 = vector.extract_strided_slice %get3A_78 {offsets = [15], sizes = [1], strides = [1]} : vector<16xf32> to vector<1xf32>
        %squeeze3A_248 = vector.extract %slice3A_247[0] : f32 from vector<1xf32>
        %broadcast_in_dim3A_249 = vector.broadcast %squeeze3A_248 : f32 to vector<16xf32>
        %gt3A_250 = arith.constant 0.000000e+00 : f32
        %gt3A_251 = arith.cmpf ogt, %squeeze3A_245, %gt3A_250 : f32
        %convert_element_type3A_252 = arith.extui %gt3A_251 : i1 to i32
        %cond3A_253 = arith.constant 0 : i32
        %cond3A_254 = arith.cmpi ne, %convert_element_type3A_252, %cond3A_253 : i32
        scf.if %cond3A_254 {
          %broadcast_in_dim3A_255 = arith.constant 0.000000e+00 : f32
          %broadcast_in_dim3A_256 = vector.broadcast %broadcast_in_dim3A_255 : f32 to vector<16xf32>
          %scan3A_257 = arith.constant 0 : i32
          %scan3A_258 = arith.constant 768 : i32
          %scan3A_259 = arith.addi %scan3A_257, %scan3A_258 : i32
          %scan3A_260 = arith.constant 1 : i32
          %scan3A_261 = scf.for %scan3A_271 = %scan3A_257 to %scan3A_259 step %scan3A_260 iter_args(%scan3A_272 = %broadcast_in_dim3A_256) -> (vector<16xf32>)  : i32 {
            %mul3A_273 = arith.constant 16 : i32
            %mul3A_274 = arith.muli %scan3A_271, %mul3A_273 : i32
            %get3A_275 = arith.index_cast %mul3A_274 : i32 to index
            %get3A_276 = tpu.vector_load %arg10[%get3A_275] {strides = array<i32>} : memref<12288xf32, #tpu.memory_space<vmem>>, vector<16xf32>,
            %get3A_277 = vector.shape_cast %get3A_276 : vector<16xf32> to vector<16xf32>
            %add3A_278 = arith.addf %broadcast_in_dim3A_249, %get3A_277 : vector<16xf32>
            %max3A = arith.constant 0.000000e+00 : f32
            %max3A_279 = vector.broadcast %max3A : f32 to vector<16xf32>
            %max3A_280 = arith.maximumf %add3A_278, %max3A_279 : vector<16xf32>
            %mul3A_281 = arith.mulf %max3A_280, %max3A_280 : vector<16xf32>
            %gt3A_282 = arith.constant 0.000000e+00 : f32
            %gt3A_283 = vector.broadcast %gt3A_282 : f32 to vector<16xf32>
            %gt3A_284 = arith.cmpf ogt, %add3A_278, %gt3A_283 : vector<16xf32>
            %le3A = arith.cmpf ole, %mul3A_281, %broadcast_in_dim3A_246 : vector<16xf32>
            %and3A = arith.andi %gt3A_284, %le3A : vector<16xi1>
            %jit3A = arith.constant 0.000000e+00 : f32
            %broadcast_in_dim3A_285 = vector.broadcast %jit3A : f32 to vector<16xf32>
            %select_n3A = arith.select %and3A, %mul3A_281, %broadcast_in_dim3A_285 : vector<16xi1>, vector<16xf32>
            %add3A_286 = arith.addf %scan3A_272, %select_n3A : vector<16xf32>
            scf.yield %add3A_286 : vector<16xf32>
          }
          %scan3A_262 = arith.constant 768 : i32
          %get3A_263 = arith.constant 0 : index
          %get3A_264 = tpu.vector_load %arg11[%get3A_263] {strides = array<i32>} : memref<16xf32, #tpu.memory_space<vmem>>, vector<16xf32>,
          %get3A_265 = vector.shape_cast %get3A_264 : vector<16xf32> to vector<16xf32>
          %add3A_266 = arith.addf %get3A_265, %scan3A_261 : vector<16xf32>
          %swap3A_267 = arith.constant 0 : index
          %swap3A_268 = tpu.vector_load %arg11[%swap3A_267] {strides = array<i32>} : memref<16xf32, #tpu.memory_space<vmem>>, vector<16xf32>,
          %swap3A_269 = vector.shape_cast %swap3A_268 : vector<16xf32> to vector<16xf32>
          %swap3A_270 = vector.shape_cast %add3A_266 : vector<16xf32> to vector<16xf32>
          tpu.vector_store %arg11[%swap3A_267], %swap3A_270 {strides = array<i32>} : memref<16xf32, #tpu.memory_space<vmem>>, vector<16xf32>,
        } else {
        }
      }
      %scan3A_70 = arith.constant 8 : i32
    } else {
    }
    "tpu.region"() ({
      %run_scoped3A = tpu.sem_alloc : memref<!tpu.dma_semaphore, #tpu.memory_space<semaphore_mem>>
      %dma_start3A_65 = arith.constant 0 : i32
      %dma_start3A_66 = tpu.memref_slice %arg6[%add3A, %dma_start3A_65] : memref<32x16xf32, #tpu.memory_space<hbm>> -> memref<1x16xf32, #tpu.memory_space<hbm>>
      %dma_start3A_67 = tpu.memref_squeeze %dma_start3A_66 : memref<1x16xf32, #tpu.memory_space<hbm>> -> memref<16xf32, #tpu.memory_space<hbm>>
      %dma_start3A_68 = arith.constant 0 : i32
      %dma_start3A_69 = tpu.memref_slice %arg6[%add3A, %dma_start3A_68] : memref<32x16xf32, #tpu.memory_space<hbm>> -> memref<1x16xf32, #tpu.memory_space<hbm>>
      %dma_start3A_70 = tpu.memref_squeeze %dma_start3A_69 : memref<1x16xf32, #tpu.memory_space<hbm>> -> memref<16xf32, #tpu.memory_space<hbm>>
      tpu.enqueue_dma source(%arg11 : memref<16xf32, #tpu.memory_space<vmem>>) target(%dma_start3A_70 : memref<16xf32, #tpu.memory_space<hbm>>) target_semaphore(%run_scoped3A : memref<!tpu.dma_semaphore, #tpu.memory_space<semaphore_mem>>)
      %dma_wait3A_71 = arith.constant 0 : i32
      %dma_wait3A_72 = tpu.memref_slice %arg6[%add3A, %dma_wait3A_71] : memref<32x16xf32, #tpu.memory_space<hbm>> -> memref<1x16xf32, #tpu.memory_space<hbm>>
      %dma_wait3A_73 = tpu.memref_squeeze %dma_wait3A_72 : memref<1x16xf32, #tpu.memory_space<hbm>> -> memref<16xf32, #tpu.memory_space<hbm>>
      %dma_wait3A_74 = arith.constant 0 : i32
      %dma_wait3A_75 = tpu.memref_slice %arg6[%add3A, %dma_wait3A_74] : memref<32x16xf32, #tpu.memory_space<hbm>> -> memref<1x16xf32, #tpu.memory_space<hbm>>
      %dma_wait3A_76 = tpu.memref_squeeze %dma_wait3A_75 : memref<1x16xf32, #tpu.memory_space<hbm>> -> memref<16xf32, #tpu.memory_space<hbm>>
      tpu.wait_dma2 semaphore(%run_scoped3A : memref<!tpu.dma_semaphore, #tpu.memory_space<semaphore_mem>>) src(%arg11 : memref<16xf32, #tpu.memory_space<vmem>>) dst(%dma_wait3A_76 : memref<16xf32, #tpu.memory_space<hbm>>)
      tpu.yield
    }) : () -> ()
    return
  }
}

module attributes {stable_mosaic.version = 14 : i64} {
  func.func @_tc_loss_body(%arg0: i32, %arg1: i32, %arg2: memref<2048x1xbf16, #tpu.memory_space<vmem>>, %arg3: memref<1x6144xbf16, #tpu.memory_space<vmem>>, %arg4: memref<1x1xf32, #tpu.memory_space<vmem>>, %arg5: memref<1x6144xf32, #tpu.memory_space<vmem>>) attributes {dimension_semantics = [#tpu.dimension_semantics<arbitrary>, #tpu.dimension_semantics<arbitrary>], iteration_bounds = array<i64: 2, 2>, scalar_prefetch = 0 : i64, scratch_operands = 1 : i64, tpu.core_type = #tpu.core_type<tc>, window_params = [{transform_indices = @transform_0, window_bounds = array<i64: 2048, 1>}, {transform_indices = @transform_1, window_bounds = array<i64: 1, 6144>}, {pipeline_mode = #tpu.pipeline_mode<synchronous>, transform_indices = @transform_2, window_bounds = array<i64: 1, 1>}]} {
    %eq3A = arith.constant 0 : i32
    %eq3A_0 = arith.cmpi eq, %arg0, %eq3A : i32
    %eq3A_1 = arith.constant 0 : i32
    %eq3A_2 = arith.cmpi eq, %arg1, %eq3A_1 : i32
    %and3A = arith.andi %eq3A_0, %eq3A_2 : i1
    %convert_element_type3A = arith.extui %and3A : i1 to i32
    %cond3A = arith.constant 0 : i32
    %cond3A_3 = arith.cmpi ne, %convert_element_type3A, %cond3A : i32
    scf.if %cond3A_3 {
      %broadcast_in_dim3A_29 = arith.constant 0.000000e+00 : f32
      %broadcast_in_dim3A_30 = vector.broadcast %broadcast_in_dim3A_29 : f32 to vector<1x6144xf32>
      %swap3A_31 = arith.constant 0 : index
      %swap3A_32 = arith.constant 0 : index
      %swap3A_33 = vector.load %arg5[%swap3A_31, %swap3A_32] : memref<1x6144xf32, #tpu.memory_space<vmem>>, vector<1x6144xf32>
      tpu.vector_store %arg5[%swap3A_31, %swap3A_32], %broadcast_in_dim3A_30 {strides = array<i32>} : memref<1x6144xf32, #tpu.memory_space<vmem>>, vector<1x6144xf32>,
    } else {
    }
    %get3A = arith.constant 0 : index
    %get3A_4 = arith.constant 0 : index
    %get3A_5 = vector.load %arg2[%get3A, %get3A_4] : memref<2048x1xbf16, #tpu.memory_space<vmem>>, vector<2048x1xbf16>
    %get3A_6 = arith.constant 0 : index
    %get3A_7 = arith.constant 0 : index
    %get3A_8 = vector.load %arg3[%get3A_6, %get3A_7] : memref<1x6144xbf16, #tpu.memory_space<vmem>>, vector<1x6144xbf16>
    %add3A = vector.broadcast %get3A_5 : vector<2048x1xbf16> to vector<2048x6144xbf16>
    %add3A_9 = vector.broadcast %get3A_8 : vector<1x6144xbf16> to vector<2048x6144xbf16>
    %add3A_10 = arith.addf %add3A, %add3A_9 : vector<2048x6144xbf16>
    %max3A = arith.constant 0.000000e+00 : bf16
    %max3A_11 = vector.broadcast %max3A : bf16 to vector<2048x6144xbf16>
    %max3A_12 = arith.maximumf %add3A_10, %max3A_11 : vector<2048x6144xbf16>
    %mul3A = arith.mulf %max3A_12, %max3A_12 : vector<2048x6144xbf16>
    %broadcast_in_dim3A = arith.constant 1.000000e+00 : bf16
    %broadcast_in_dim3A_13 = vector.broadcast %broadcast_in_dim3A : bf16 to vector<1x2048xbf16>
    %dot_general3A = arith.constant dense<0.000000e+00> : vector<1x6144xf32>
    %dot_general3A_14 = tpu.matmul %broadcast_in_dim3A_13, %mul3A, %dot_general3A {dimension_numbers = #tpu.dot_dimension_numbers<[1], [0], [0], [1], [0, 0, 1, 1], [], []>, transpose_lhs_hint = false} : vector<1x2048xbf16>, vector<2048x6144xbf16>, vector<1x6144xf32> -> vector<1x6144xf32>
    %get3A_15 = arith.constant 0 : index
    %get3A_16 = arith.constant 0 : index
    %get3A_17 = vector.load %arg5[%get3A_15, %get3A_16] : memref<1x6144xf32, #tpu.memory_space<vmem>>, vector<1x6144xf32>
    %add3A_18 = arith.addf %get3A_17, %dot_general3A_14 : vector<1x6144xf32>
    %swap3A = arith.constant 0 : index
    %swap3A_19 = arith.constant 0 : index
    %swap3A_20 = vector.load %arg5[%swap3A, %swap3A_19] : memref<1x6144xf32, #tpu.memory_space<vmem>>, vector<1x6144xf32>
    tpu.vector_store %arg5[%swap3A, %swap3A_19], %add3A_18 {strides = array<i32>} : memref<1x6144xf32, #tpu.memory_space<vmem>>, vector<1x6144xf32>,
    %eq3A_21 = arith.constant 1 : i32
    %eq3A_22 = arith.cmpi eq, %arg0, %eq3A_21 : i32
    %eq3A_23 = arith.constant 1 : i32
    %eq3A_24 = arith.cmpi eq, %arg1, %eq3A_23 : i32
    %and3A_25 = arith.andi %eq3A_22, %eq3A_24 : i1
    %convert_element_type3A_26 = arith.extui %and3A_25 : i1 to i32
    %cond3A_27 = arith.constant 0 : i32
    %cond3A_28 = arith.cmpi ne, %convert_element_type3A_26, %cond3A_27 : i32
    scf.if %cond3A_28 {
      %get3A_29 = arith.constant 0 : index
      %get3A_30 = arith.constant 0 : index
      %get3A_31 = vector.load %arg5[%get3A_29, %get3A_30] : memref<1x6144xf32, #tpu.memory_space<vmem>>, vector<1x6144xf32>
      %reduce_sum3A = vector.shape_cast %get3A_31 : vector<1x6144xf32> to vector<1x1x6144xf32>
      %reduce_sum3A_32 = arith.constant dense<0.000000e+00> : vector<1xf32>
      %reduce_sum3A_33 = vector.multi_reduction <add>, %reduce_sum3A, %reduce_sum3A_32 [1, 2] : vector<1x1x6144xf32> to vector<1xf32>
      %reduce_sum3A_34 = vector.shape_cast %reduce_sum3A_33 : vector<1xf32> to vector<1x1x1xf32>
      %reduce_sum3A_35 = vector.extract %reduce_sum3A_34[0, 0, 0] : f32 from vector<1x1x1xf32>
      %mul3A_36 = arith.constant 2.44140625E-4 : f32
      %mul3A_37 = arith.mulf %reduce_sum3A_35, %mul3A_36 : f32
      %broadcast_in_dim3A_38 = vector.broadcast %mul3A_37 : f32 to vector<1x1xf32>
      %swap3A_39 = arith.constant 0 : index
      %swap3A_40 = arith.constant 0 : index
      %swap3A_41 = vector.load %arg4[%swap3A_39, %swap3A_40] : memref<1x1xf32, #tpu.memory_space<vmem>>, vector<1x1xf32>
      tpu.vector_store %arg4[%swap3A_39, %swap3A_40], %broadcast_in_dim3A_38 {strides = array<i32>} : memref<1x1xf32, #tpu.memory_space<vmem>>, vector<1x1xf32>,
    } else {
    }
    return
  }
  func.func @transform_0(%arg0: i32, %arg1: i32) -> (i32, i32) {
    %c0_i32 = arith.constant 0 : i32
    %c0_i32_0 = arith.constant 0 : i32
    return %arg0, %c0_i32 : i32, i32
  }
  func.func @transform_1(%arg0: i32, %arg1: i32) -> (i32, i32) {
    %c0_i32 = arith.constant 0 : i32
    %c0_i32_0 = arith.constant 0 : i32
    return %c0_i32, %arg1 : i32, i32
  }
  func.func @transform_2(%arg0: i32, %arg1: i32) -> (i32, i32) {
    %c0_i32 = arith.constant 0 : i32
    %c0_i32_0 = arith.constant 0 : i32
    %c0_i32_1 = arith.constant 0 : i32
    return %c0_i32, %c0_i32_0 : i32, i32
  }
}

</mosaic_0001>

<sc_bundles>
// kernel: kernel.4.cloned.1.call-start
scs
__scs_entry_jumppad:
0x0: {  	(pc) =	sbr.rel $0x88, $3  }
0x1: {  	(tag) =	ssettag $0x0;
	lr =	simm.s32 $0x1  }
0x2: {  	[smem:$0x3F9D] =	sst lr;
	_ =	strace $0xD0000000  }
0x3: {  	_ = 	snop  }
0x4: {  	_ = 	snop  }
0x5: {  	_ = 	snop  }
0x6: {  	_ = 	snop  }
0x7: {  	_ = 	snop  }
__scs_overlays_trampoline_lowered:
0x8: {  	[smem:$0x3FAC] =	sst s0  }
0x9: {  	[smem:$0x3FAD] =	sst s1  }
0xa: {  	[smem:$0x3FAE] =	sst s2  }
0xb: {  	[smem:$0x3FAF] =	sst s3  }
0xc: {  	[smem:$0x3FB0] =	sst s4  }
0xd: {  	[smem:$0x3FB1] =	sst s5  }
0xe: {  	[smem:$0x3FB2] =	sst s6  }
0xf: {  	[smem:$0x3FB3] =	sst s7  }
0x10: {  	[smem:$0x3FB4] =	sst s8  }
0x11: {  	[smem:$0x3FB5] =	sst s9;
	s0 =	simm.s32 @!p0 $0x0  }
0x12: {  	s1 =	sld [smem:$0x3F9B];
	s0 =	simm.s32 @p0 $0x1  }
0x13: {  	[smem:$0x3FB6] =	sst s0;
	s0 =	simm.s32 @!p1 $0x0  }
0x14: {  	s2 =	sld [smem:$0x3F9A];
	s0 =	simm.s32 @p1 $0x1  }
0x15: {  	[smem:$0x3FB7] =	sst s0;
	s0 =	simm.s32 @!p2 $0x0  }
0x16: {  	s3 =	sld [smem:$0x3FDB];
	s0 =	simm.s32 @p2 $0x1  }
0x17: {  	s4 =	simm.s32 $0x1BF5;
	[smem:$0x3FB9] =	sst s0  }
0x18: {  	s0 =	sld [smem:$0x3F9C];
	_ =	swait.ge [sflag:s4], $0x0  }
0x19: {  	s7 =	sld [smem:$0x3F9D]  }
0x1a: {  	s8 =	sadd.s32 $0xFFFFE003, lr  }
0x1b: {  	s9 =	sadd.s32 $0xFFFFFEF7, lr;
	s5 =	simm.s32 $0xFFFFFFFF;
	p2 =	slt.u32 s8, $0xFFFFF086  }
0x1c: {  	p1 =	slt.u32 s9, $0xF7A;
	s5 =	simm.s32 @!p2 $0x0  }
0x1d: {  	s5 =	simm.s32 @p1 $0x1;
	p0 =	seq.s32 s7, s2  }
0x1e: {  	s7 =	smul.u32 @!p0 $0xF7A, s2;
	p2 =	seq.s32 @!p0 s5, $0x0  }
0x1f: {  	s9 =	smul.u32 $0xF7A, s1;
	s8 =	simm.s32 @!p0 $0x1BF5;
	p2 =	por !p2, p0  }
0x20: {  	[sflag:s8] =	ssyncset.s32 @!p0 $0xFFFFF086;
	s6 =	sadd.s32 @!p0 s3, s7;
	s7 =	simm.s32 @!p0 $0x108  }
0x21: {  	s3 =	sadd.s32 s3, s9;
	s6 =	sadd.s32 @!p0 $0x88, s6;
	s7 =	simm.s32 @p2 $0x1082  }
0x22: {  	[simem:s7], [sflag:s8] =	dma.local @!p0 [hbm:s6], $0xF7A  }
0x23: {  	s9 =	sor.u32 $0xD0000000, s2;
	s6 =	simm.s32 $0x108;
	_ =	swait.ge @!p0 [sflag:s8], $0x0  }
0x24: {  	s3 =	sadd.s32 $0x88, s3;
	s6 =	simm.s32 @!p1 $0x1082;
	[sflag:s4] =	ssyncset.s32 $0xFFFFF086  }
0x25: {  	[simem:s6], [sflag:s4] =	dma.local [hbm:s3], $0xF7A  }
0x26: {  	[smem:$0x3F9D] =	sst s1;
	(tag) =	ssettag s2;
	_ =	strace s9  }
0x27: {  	s1 =	sld [smem:$0x3FAD]  }
0x28: {  	s2 =	sld [smem:$0x3FAE]  }
0x29: {  	s4 =	sld [smem:$0x3FB0]  }
0x2a: {  	p0 =	seq.s32 s5, $0x0;
	s5 =	sld [smem:$0x3FB1]  }
0x2b: {  	s6 =	sld [smem:$0x3FB2]  }
0x2c: {  	s7 =	sld [smem:$0x3FB3]  }
0x2d: {  	s3 =	simm.s32 $0x108;
	s8 =	sld [smem:$0x3FB4]  }
0x2e: {  	s3 =	simm.s32 @!p0 $0x1082;
	s9 =	sld [smem:$0x3FB5]  }
0x2f: {  	lr =	sadd.s32 s0, s3;
	s0 =	sld [smem:$0x3FAC]  }
0x30: {  	s3 =	sld [smem:$0x3FAF]  }
0x31: {  	[smem:$0x3FB8] =	sst s10  }
0x32: {  	s10 =	sld [smem:$0x3FB6];
	_ =	sdelay $0x3  }
0x33: {  	p0 =	seq.s32 s10, $0x1;
	s10 =	sld [smem:$0x3FB8];
	_ =	sdelay $0x3  }
0x34: {  	[smem:$0x3FB8] =	sst s10  }
0x35: {  	s10 =	sld [smem:$0x3FB7];
	_ =	sdelay $0x3  }
0x36: {  	p1 =	seq.s32 s10, $0x1;
	s10 =	sld [smem:$0x3FB8];
	_ =	sdelay $0x3  }
0x37: {  	[smem:$0x3FB8] =	sst s10  }
0x38: {  	s10 =	sld [smem:$0x3FB9]  }
0x39: {  	_ = 	snop;
	(pc) =	sbr.ind lr, $3  }
0x3a: {  	_ = 	snop  }
0x3b: {  	_ = 	snop  }
0x3c: {  	p2 =	seq.s32 s10, $0x1;
	s10 =	sld [smem:$0x3FB8]  }
0x3d: {  	_ =	shalt  }
0x3e: {  	_ =	shalt  }
0x3f: {  	_ =	shalt  }
0x40: {  	_ =	shalt  }
0x41: {  	_ =	shalt  }
0x42: {  	_ =	shalt  }
0x43: {  	_ =	shalt  }
0x44: {  	_ =	shalt  }
0x45: {  	_ =	shalt  }
0x46: {  	_ =	shalt  }
0x47: {  	_ =	shalt  }
0x48: {  	_ =	shalt  }
0x49: {  	_ =	shalt  }
0x4a: {  	_ =	shalt  }
0x4b: {  	_ =	shalt  }
0x4c: {  	_ =	shalt  }
0x4d: {  	_ =	shalt  }
0x4e: {  	_ =	shalt  }
0x4f: {  	_ =	shalt  }
0x50: {  	_ =	shalt  }
0x51: {  	_ =	shalt  }
0x52: {  	_ =	shalt  }
0x53: {  	_ =	shalt  }
0x54: {  	_ =	shalt  }
0x55: {  	_ =	shalt  }
0x56: {  	_ =	shalt  }
0x57: {  	_ =	shalt  }
0x58: {  	_ =	shalt  }
0x59: {  	_ =	shalt  }
0x5a: {  	_ =	shalt  }
0x5b: {  	_ =	shalt  }
0x5c: {  	_ =	shalt  }
0x5d: {  	_ =	shalt  }
0x5e: {  	_ =	shalt  }
0x5f: {  	_ =	shalt  }
0x60: {  	_ =	shalt  }
0x61: {  	_ =	shalt  }
0x62: {  	_ =	shalt  }
0x63: {  	_ =	shalt  }
0x64: {  	_ =	shalt  }
0x65: {  	_ =	shalt  }
0x66: {  	_ =	shalt  }
0x67: {  	_ =	shalt  }
0x68: {  	_ =	shalt  }
0x69: {  	_ =	shalt  }
0x6a: {  	_ =	shalt  }
0x6b: {  	_ =	shalt  }
0x6c: {  	_ =	shalt  }
0x6d: {  	_ =	shalt  }
0x6e: {  	_ =	shalt  }
0x6f: {  	_ =	shalt  }
0x70: {  	_ =	shalt  }
0x71: {  	_ =	shalt  }
0x72: {  	_ =	shalt  }
0x73: {  	_ =	shalt  }
0x74: {  	_ =	shalt  }
0x75: {  	_ =	shalt  }
0x76: {  	_ =	shalt  }
0x77: {  	_ =	shalt  }
0x78: {  	_ =	shalt  }
0x79: {  	_ =	shalt  }
0x7a: {  	_ =	shalt  }
0x7b: {  	_ =	shalt  }
0x7c: {  	_ =	shalt  }
0x7d: {  	_ =	shalt  }
0x7e: {  	_ =	shalt  }
0x7f: {  	_ =	shalt  }
0x80: {  	_ =	shalt  }
0x81: {  	_ =	shalt  }
0x82: {  	_ =	shalt  }
0x83: {  	_ =	shalt  }
0x84: {  	_ =	shalt  }
0x85: {  	_ =	shalt  }
0x86: {  	_ =	shalt  }
0x87: {  	_ =	shalt  }
.Lfunc_end0:
.L_simem_size_0:
called_computation_lowered:
.L_overlay_start_0:
0x88: {  	s2 =	sld [smem:$0x3FD9]  }
0x89: {  	s3 =	sld [smem:$0x3FFE];
	_ =	sdelay $0x1  }
0x8a: {  	s1 =	srdreg.scid  }
0x8b: {  	s0 =	sand.u32 $0x1, s1  }
0x8c: {  	s17 =	sshll.u32 s0, $0xA;
	s2 =	sadd.s32 s3, s2  }
0x8d: {  	s2 =	sadd.s32 s2, s17  }
0x8e: {  	[smem:$0x3FC4] =	sst s2  }
0x8f: {  	_ = 	snop  }
0x90: {  	s2 =	sld [smem:$0x3FC7];
	(tm) =	ssettm $0x1  }
0x91: {  	s18 =	sld [smem:$0x3FFB];
	_ =	sdelay $0x3  }
0x92: {  	_ =	strace s18  }
0x93: {  	s3 =	sld [smem:$0x3FFC];
	_ =	sdelay $0x3  }
0x94: {  	_ =	strace s3  }
0x95: {  	s3 =	sld [smem:$0x3FFD];
	_ =	sdelay $0x3  }
0x96: {  	_ =	strace s3  }
0x97: {  	_ =	strace $0x8FFFFFFF  }
0x98: {  	s19 =	sld [smem:$0x3FDB];
	_ =	sdelay $0x1  }
0x99: {  	s4 =	simm.s32 $_scs_section_size  }
0x9a: {  	s5 =	simm.s32 $_size__tile_overlayer_lowered;
	s6 =	simm.s32 $_tile_overlayer_lowered  }
0x9b: {  	s22 =	simm.s32 $0x1BFF;
	s21 =	sshll.u32 s6, $0x1;
	s3 =	sadd.s32 s4, s19  }
0x9c: {  	s7 =	simm.s32 $0x0;
	s20 =	sshll.u32 s5, $0x1;
	s5 =	sadd.s32 s21, s3  }
0x9d: {  	[timem:s7], [sflag:s22] =	dma.local [hbm:s5], s20  }
0x9e: {  	_ =	swait.ge [sflag:s22], s20  }
0x9f: {  	s4 =	ssub.s32 $0x0, s20;
	[sflag:s22] =	ssyncset.done $0x0  }
0xa0: {  	[sflag:s22] =	ssyncadd.s32 s4;
	_ =	sdelay $0x1  }
0xa1: {  	s23 =	simm.s32 $0x1B8B  }
0xa2: {  	_ =	swait.ge [sflag:s23], $0x1  }
0xa3: {  	[sflag:s23] =	ssyncset.done $0x0  }
0xa4: {  	s25 =	simm.s32 $0x1B8E;
	s24 =	sld [smem:$0x3FFE];
	[sflag:s23] =	ssyncadd.s32 $0xFFFFFFFF  }
0xa5: {  	s26 =	simm.s32 $execute0_lowered;
	[smem:$0x3FD2] =	sst s25  }
0xa6: {  	s5 =	sshll.u32 s26, $0x1;
	_ =	strace $0x80000046;
	[dreg:$0x1] =	wrdreg $0xFFFFFFFF  }
0xa7: {  	s28 =	simm.s32 $_size_execute0_lowered;
	s3 =	sadd.s32 s3, s5;
	[dreg:$0x0] =	wrdreg $0x0  }
0xa8: {  	s5 =	sshll.u32 s28, $0x1;
	[dreg:$0x2] =	wrdreg s3  }
0xa9: {  	[dreg:$0x3] =	wrdreg s5  }
0xaa: {  	[dreg:$0x4] =	wrdreg $0xC0  }
0xab: {  	_ =	task [dreg:s7], $0x5FFFF  }
0xac: {  	[dreg:$0x1] =	wrdreg $0xFFFFFFFF  }
0xad: {  	[dreg:$0x0] =	wrdreg $0x60  }
0xae: {  	[dreg:$0x2] =	wrdreg s2  }
0xaf: {  	[dreg:$0x3] =	wrdreg s24  }
0xb0: {  	[dreg:$0x4] =	wrdreg $0x9  }
0xb1: {  	_ =	task.clear_ibuf [dreg:s7], $0x5FFFF;
	_ =	strace $0x90000046  }
0xb2: {  	s29 =	simm.s32 $0x9;
	_ =	strace $0x80000048  }
0xb3: {  	_ =	swait.ge [sflag:s29], $0x1  }
0xb4: {  	[sflag:s29] =	ssyncadd.s32 $0xFFFFFFFF  }
0xb5: {  	_ =	strace $0x90000048  }
0xb6: {  	_ =	sfence  }
0xb7: {  	s30 =	sld [smem:$0x0];
	_ =	sdelay $0x2  }
0xb8: {  	s31 =	sshll.u32 s1, $0xD;
	s1 =	sshrl.u32 s1, $0x2  }
0xb9: {  	s3 =	sand.u32 $0x4000, s31;
	s1 =	sadd.s32 s1, s30  }
0xba: {  	s0 =	sor.u32 s3, s0;
	s1 =	sshll.u32 s1, $0x11  }
0xbb: {  	s0 =	sor.u32 s1, s0  }
0xbc: {  	s0 =	sadd.s32 $0x8F2B, s0  }
0xbd: {  	[sflag:s0] =	ssyncadd.remote.s32 $0x1  }
0xbe: {  	_ =	sfence.sel $0xFFFF  }
0xbf: {  	[dreg:$0x0] =	wrdreg $0xFFFFFFFF;
	(pc) =	sbr.abs _section_cstart, $3  }
0xc0: {  	[dreg:$0x1] =	wrdreg $0xFFFFFFFF  }
0xc1: {  	_ =	task.clear_ibuf [dreg:s7], $0x2FFFF;
	_ =	strace $0x9FFFFFFF  }
0xc2: {  	(tm) =	ssettm $0x7FFFFFFF  }
0xc3: {  	_ =	shalt  }
tec
execute0_lowered:
.L_overlay_start_1:
0x0: {  	(tag) =	ssettag $0x1  }
0x1: {  	s5 =	rddreg [dreg:$0x0]  }
0x2: {  	s6 =	rddreg [dreg:$0x1]  }
0x3: {  	s0 =	rddreg [dreg:$0x2];
	s1 =	simm.s32 $0x0;
	s4 =	srdreg.scid  }
0x4: {  	s2 =	stileid.u32;
	s11 =	simm.s32 $0x1;
	s12 =	simm.s32 $0x100  }
0x5: {  	s13 =	simm.s32 $0x180;
	s14 =	simm.s32 $0x3180;
	s15 =	simm.s32 $0x0  }
0x6: {  	[smem:$0x7FF] =	sst s1;
	s3 =	sadd.s32 $0x800, s6;
	s4 =	sand.u32 $0x1, s4  }
.Ltmp0:
0x7: {  	s8 =	sshll.u32 s2, $0x5;
	_ =	strace $0x80000047;
	(pc) =	sbr.rel .LBB2_1-.Ltmp0, $4  }
0x8: {  	s7 =	ssub.s32 $0x2, s4;
	s9 =	sshll.u32 s4, $0x4;
	s4 =	sadd.s32 $0x200, s6  }
0x9: {  	s10 =	sshrl.u32 s7, $0x1;
	s8 =	sor.u32 s9, s8;
	s9 =	simm.s32 $0x2  }
0xa: {  	s31 =	ssub.s32 s7, s10;
	s5 =	sadd.s32 s5, s8;
	s6 =	sadd.s32 s6, s8  }
0xb: {  	v0 =	vimm.f32 $0.0e+00;
	s10 =	simm.s32 $0x80;
	s7 =	sadd.s32 $0x3A00, s6;
	s8 =	smax.u32 s31, $0x1  }
.LBB2_68:
0xc: {  	s15 =	sadd.s32 $0x1, s15  }
0xd: {  	p0 =	sne.s32 s15, s8  }
.Ltmp1:
0xe: {  	_ = 	snop;
	(pc) =	sbr.rel @!p0 .LBB2_69-.Ltmp1, $4  }
0xf: {  	[hbm4b:s7+s1] =	stream.linear.scatter [tilespmem:s14], [sflag:$0x2], $0x80, $0x38;
	[tilespmem:$0x3200] =	vst v63  }
0x10: {  	_ =	swait.ge [sflag:s9], $0x80  }
0x11: {  	[sflag:s9] =	ssyncset.done $0x0  }
0x12: {  	[sflag:s9] =	ssyncadd.s32 $0xFFFFFF80  }
.LBB2_1:
0x13: {  	[tilespmem:s1], [sflag:$0x2] =	stream.linear.gather [hbm4b:s5+s1], $0x80, $0x38;
	[tilespmem:$0x3200] =	vst v63  }
0x14: {  	_ =	swait.ge [sflag:s9], $0x80  }
0x15: {  	[sflag:s9] =	ssyncset.done $0x0  }
0x16: {  	[sflag:s9] =	ssyncadd.s32 $0xFFFFFF80  }
0x17: {  	[tilespmem:s10], [sflag:$0x1] =	stream.indirect.gather [hbm4b:s3+s10], $0x1, s1, s10, $0xb8;
	[tilespmem:$0x3200] =	vst v63  }
0x18: {  	_ =	swait.ge [sflag:s11], $0x80  }
0x19: {  	[sflag:s11] =	ssyncset.done $0x0  }
0x1a: {  	[sflag:s11] =	ssyncadd.s32 $0xFFFFFF80  }
0x1b: {  	v1 =	vld [tilespmem:$0x80]  }
0x1c: {  	v2 =	vld [tilespmem:$0x90]  }
0x1d: {  	v3 =	vld [tilespmem:$0xA0]  }
0x1e: {  	v4 =	vld [tilespmem:$0xB0]  }
0x1f: {  	v5 =	vld [tilespmem:$0xC0]  }
0x20: {  	v6 =	vld [tilespmem:$0xD0]  }
0x21: {  	vm0 =	vgt.f32 v1, $0.0e+00;
	vm1 =	vgt.f32 v2, $0.0e+00;
	v1 =	vld [tilespmem:$0xE0]  }
0x22: {  	vm10 =	vgt.f32 v3, $0.0e+00;
	v3 =	vld [tilespmem:$0xF0];
	v2 =	vsel vm0, $0x3F800000, v0;
	v7 =	vsel vm1, $0x3F800000, v0  }
0x23: {  	vm11 =	vgt.f32 v4, $0.0e+00;
	v61 =	vsel vm10, $0x3F800000, v0;
	v2 =	vmax.f32 v2, v7  }
0x24: {  	vm12 =	vgt.f32 v5, $0.0e+00;
	v4 =	vsel vm11, $0x3F800000, v0;
	v2 =	vmax.f32 v2, v61  }
0x25: {  	vm13 =	vgt.f32 v6, $0.0e+00;
	v62 =	vsel vm12, $0x3F800000, v0;
	v2 =	vmax.f32 v2, v4  }
0x26: {  	v63 =	vsel vm13, $0x3F800000, v0;
	v2 =	vmax.f32 v2, v62;
	vm14 =	vgt.f32 v1, $0.0e+00  }
0x27: {  	vm15 =	vgt.f32 v3, $0.0e+00;
	v1 =	vmax.f32 v2, v63;
	v2 =	vsel vm14, $0x3F800000, v0  }
0x28: {  	v1 =	vmax.f32 v1, v2;
	v2 =	vsel vm15, $0x3F800000, v0  }
0x29: {  	v1 =	vmax.f32 v1, v2  }
0x2a: {  	(v2sf) =	vpush v1, $0x0;
	_ =	sdelay $0x1  }
0x2b: {  	(v2sf) =	vpush v1, $0x1;
	_ =	sdelay $0x1  }
0x2c: {  	(v2sf) =	vpush v1, $0x2;
	_ =	sdelay $0x1  }
0x2d: {  	(v2sf) =	vpush v1, $0x3;
	_ =	sdelay $0x1  }
0x2e: {  	(v2sf) =	vpush v1, $0x4;
	_ =	sdelay $0x1  }
0x2f: {  	(v2sf) =	vpush v1, $0x5;
	_ =	sdelay $0x1  }
0x30: {  	(v2sf) =	vpush v1, $0x6;
	_ =	sdelay $0x1  }
0x31: {  	(v2sf) =	vpush v1, $0x7  }
0x32: {  	s16 =	spop (v2sf)  }
0x33: {  	(v2sf) =	vpush v1, $0x8;
	s16 =	sadd.f32 $0.0e+00, s16  }
0x34: {  	s17 =	spop (v2sf)  }
0x35: {  	(v2sf) =	vpush v1, $0x9;
	s16 =	sadd.f32 s16, s17  }
0x36: {  	s31 =	spop (v2sf)  }
0x37: {  	(v2sf) =	vpush v1, $0xA;
	s16 =	sadd.f32 s16, s31  }
0x38: {  	s18 =	spop (v2sf)  }
0x39: {  	(v2sf) =	vpush v1, $0xB;
	s16 =	sadd.f32 s16, s18  }
0x3a: {  	s19 =	spop (v2sf)  }
0x3b: {  	(v2sf) =	vpush v1, $0xC;
	s16 =	sadd.f32 s16, s19  }
0x3c: {  	s20 =	spop (v2sf)  }
0x3d: {  	(v2sf) =	vpush v1, $0xD;
	s16 =	sadd.f32 s16, s20  }
0x3e: {  	s21 =	spop (v2sf)  }
0x3f: {  	(v2sf) =	vpush v1, $0xE;
	s16 =	sadd.f32 s16, s21  }
0x40: {  	s22 =	spop (v2sf)  }
0x41: {  	(v2sf) =	vpush v1, $0xF;
	s16 =	sadd.f32 s16, s22  }
0x42: {  	s23 =	spop (v2sf)  }
0x43: {  	s16 =	sadd.f32 s16, s23  }
0x44: {  	s24 =	spop (v2sf)  }
0x45: {  	s16 =	sadd.f32 s16, s24  }
0x46: {  	s25 =	spop (v2sf)  }
0x47: {  	s16 =	sadd.f32 s16, s25  }
0x48: {  	s26 =	spop (v2sf)  }
0x49: {  	s16 =	sadd.f32 s16, s26  }
0x4a: {  	s28 =	spop (v2sf)  }
0x4b: {  	s16 =	sadd.f32 s16, s28  }
0x4c: {  	s29 =	spop (v2sf)  }
0x4d: {  	s16 =	sadd.f32 s16, s29  }
0x4e: {  	s30 =	spop (v2sf)  }
0x4f: {  	s16 =	sadd.f32 s16, s30  }
0x50: {  	s31 =	spop (v2sf)  }
0x51: {  	s16 =	sadd.f32 s16, s31;
	_ =	sdelay $0x1  }
0x52: {  	p0 =	sgt.f32 s16, $5.000000000e-01  }
.Ltmp2:
0x53: {  	_ = 	snop;
	(pc) =	sbr.rel @!p0 .LBB2_68-.Ltmp2, $2  }
0x54: {  	_ =	sdelay $0x2  }
0x55: {  	[tilespmem:$0x3180] =	vst v0  }
0x56: {  	s16 =	simm.s32 $0x0  }
0x57: {  	[tilespmem:s12], [sflag:$0x2] =	stream.linear.gather [hbm4b:s6+s16], $0x80, $0x38;
	[tilespmem:$0x3200] =	vst v63  }
0x58: {  	_ =	swait.ge [sflag:s9], $0x80  }
0x59: {  	[sflag:s9] =	ssyncset.done $0x0  }
.Ltmp3:
0x5a: {  	[sflag:s9] =	ssyncadd.s32 $0xFFFFFF80;
	(pc) =	sbr.rel .LBB2_3-.Ltmp3, $4  }
0x5b: {  	[tilespmem:s13], [sflag:$0x2] =	stream.linear.gather [hbm4b:s4+s16], $0x3000, $0x38;
	[tilespmem:$0x3200] =	vst v63  }
0x5c: {  	_ =	swait.ge [sflag:s9], $0x3000  }
0x5d: {  	[sflag:s9] =	ssyncset.done $0x0  }
0x5e: {  	[sflag:s9] =	ssyncadd.s32 $0xFFFFD000  }
.LBB2_67:
0x5f: {  	s16 =	sadd.s32 $0x1, s16  }
0x60: {  	p0 =	sne.s32 s16, $0x8  }
.Ltmp4:
0x61: {  	_ = 	snop;
	(pc) =	sbr.rel @!p0 .LBB2_68-.Ltmp4, $1  }
0x62: {  	_ =	sdelay $0x3  }
.LBB2_3:
0x63: {  	s17 =	sshll.u32 s16, $0x4  }
0x64: {  	v1 =	vld [tilespmem:s17+$0x80];
	_ =	sdelay $0x4  }
0x65: {  	(v2sf) =	vpush v1, $0x0;
	_ =	sdelay $0xe  }
0x66: {  	s18 =	spop (v2sf)  }
0x67: {  	p0 =	sgt.f32 s18, $0.0e+00  }
.Ltmp5:
0x68: {  	_ = 	snop;
	(pc) =	sbr.rel @!p0 .LBB2_7-.Ltmp5, $2  }
0x69: {  	_ =	sdelay $0x2  }
0x6a: {  	v2 =	vld [tilespmem:s17+$0x100]  }
0x6b: {  	s17 =	simm.s32 $0x0  }
0x6c: {  	v3 =	vld [tilespmem:s17+$0x180];
	_ =	sdelay $0x2  }
0x6d: {  	v5 =	vbroadcast v2, $0x0;
	_ =	sdelay $0x1  }
0x6e: {  	s18 =	simm.s32 $0x10;
	v8 =	vadd.f32 v3, v5  }
0x6f: {  	v7 =	vld [tilespmem:s18+$0x180]  }
0x70: {  	v4 =	vmax.f32 v8, $0.0e+00  }
0x71: {  	v3 =	vbroadcast v1, $0x0;
	v6 =	vmul.f32 v4, v4;
	_ =	sdelay $0x1  }
0x72: {  	s17 =	simm.s32 $0x80;
	vm0 =	vgt.f32 v8, $0.0e+00;
	v4 =	vimm.f32 $0.0e+00;
	vm1 =	vle.f32 v6, v3  }
.LBB2_5:
0x73: {  	s18 =	sshra.s32 s17, $0x2;
	p0 =	sne.s32 s17, $0xBFC0;
	s17 =	sadd.s32 $0x40, s17;
	v8 =	vadd.f32 v7, v5;
	vm0 =	vmand vm0, vm1  }
.Ltmp6:
0x74: {  	v7 =	vld [tilespmem:s18+$0x180];
	v6 =	vnsel vm0, $0x0, v6;
	(pc) =	sbr.rel @p0 .LBB2_5-.Ltmp6, $3  }
0x75: {  	v9 =	vmax.f32 v8, $0.0e+00;
	v4 =	vadd.f32 v6, v4  }
0x76: {  	v6 =	vmul.f32 v9, v9;
	_ =	sdelay $0x1  }
0x77: {  	vm0 =	vgt.f32 v8, $0.0e+00;
	vm1 =	vle.f32 v6, v3  }
0x78: {  	v5 =	vadd.f32 v7, v5;
	_ =	sdelay $0x1  }
0x79: {  	v7 =	vmax.f32 v5, $0.0e+00  }
0x7a: {  	v7 =	vmul.f32 v7, v7  }
0x7b: {  	vm0 =	vmand vm0, vm1  }
0x7c: {  	v6 =	vnsel vm0, $0x0, v6;
	vm14 =	vgt.f32 v5, $0.0e+00;
	vm15 =	vle.f32 v7, v3;
	v3 =	vld [tilespmem:$0x3180]  }
0x7d: {  	v4 =	vadd.f32 v6, v4;
	vm0 =	vmand vm14, vm15  }
0x7e: {  	v63 =	vnsel vm0, $0x0, v7  }
0x7f: {  	v4 =	vadd.f32 v63, v4;
	_ =	sdelay $0x1  }
0x80: {  	v3 =	vadd.f32 v3, v4;
	_ =	sdelay $0x1  }
0x81: {  	[tilespmem:$0x3180] =	vst v3  }
.LBB2_7:
0x82: {  	(v2sf) =	vpush v1, $0x1;
	_ =	sdelay $0xe  }
0x83: {  	s17 =	spop (v2sf)  }
0x84: {  	p0 =	sgt.f32 s17, $0.0e+00  }
.Ltmp7:
0x85: {  	_ = 	snop;
	(pc) =	sbr.rel @!p0 .LBB2_11-.Ltmp7, $1  }
0x86: {  	_ =	sdelay $0x3  }
0x87: {  	s17 =	simm.s32 $0x0  }
0x88: {  	v3 =	vld [tilespmem:s17+$0x180];
	_ =	sdelay $0x2  }
0x89: {  	v5 =	vbroadcast v2, $0x1;
	_ =	sdelay $0x1  }
0x8a: {  	s18 =	simm.s32 $0x10;
	v8 =	vadd.f32 v3, v5  }
0x8b: {  	v7 =	vld [tilespmem:s18+$0x180]  }
0x8c: {  	v4 =	vmax.f32 v8, $0.0e+00  }
0x8d: {  	v3 =	vbroadcast v1, $0x1;
	v6 =	vmul.f32 v4, v4;
	_ =	sdelay $0x1  }
0x8e: {  	s17 =	simm.s32 $0x80;
	vm0 =	vgt.f32 v8, $0.0e+00;
	v4 =	vimm.f32 $0.0e+00;
	vm1 =	vle.f32 v6, v3  }
.LBB2_9:
0x8f: {  	s18 =	sshra.s32 s17, $0x2;
	p0 =	sne.s32 s17, $0xBFC0;
	s17 =	sadd.s32 $0x40, s17;
	v8 =	vadd.f32 v7, v5;
	vm0 =	vmand vm0, vm1  }
.Ltmp8:
0x90: {  	v7 =	vld [tilespmem:s18+$0x180];
	v6 =	vnsel vm0, $0x0, v6;
	(pc) =	sbr.rel @p0 .LBB2_9-.Ltmp8, $3  }
0x91: {  	v9 =	vmax.f32 v8, $0.0e+00;
	v4 =	vadd.f32 v6, v4  }
0x92: {  	v6 =	vmul.f32 v9, v9;
	_ =	sdelay $0x1  }
0x93: {  	vm0 =	vgt.f32 v8, $0.0e+00;
	vm1 =	vle.f32 v6, v3  }
0x94: {  	v5 =	vadd.f32 v7, v5;
	_ =	sdelay $0x1  }
0x95: {  	v7 =	vmax.f32 v5, $0.0e+00  }
0x96: {  	v7 =	vmul.f32 v7, v7  }
0x97: {  	vm0 =	vmand vm0, vm1  }
0x98: {  	v6 =	vnsel vm0, $0x0, v6;
	vm14 =	vgt.f32 v5, $0.0e+00;
	vm15 =	vle.f32 v7, v3;
	v3 =	vld [tilespmem:$0x3180]  }
0x99: {  	v4 =	vadd.f32 v6, v4;
	vm0 =	vmand vm14, vm15  }
0x9a: {  	v63 =	vnsel vm0, $0x0, v7  }
0x9b: {  	v4 =	vadd.f32 v63, v4;
	_ =	sdelay $0x1  }
0x9c: {  	v3 =	vadd.f32 v3, v4;
	_ =	sdelay $0x1  }
0x9d: {  	[tilespmem:$0x3180] =	vst v3  }
.LBB2_11:
0x9e: {  	(v2sf) =	vpush v1, $0x2;
	_ =	sdelay $0xe  }
0x9f: {  	s17 =	spop (v2sf)  }
0xa0: {  	p0 =	sgt.f32 s17, $0.0e+00  }
.Ltmp9:
0xa1: {  	_ = 	snop;
	(pc) =	sbr.rel @!p0 .LBB2_15-.Ltmp9, $1  }
0xa2: {  	_ =	sdelay $0x3  }
0xa3: {  	s17 =	simm.s32 $0x0  }
0xa4: {  	v3 =	vld [tilespmem:s17+$0x180];
	_ =	sdelay $0x2  }
0xa5: {  	v5 =	vbroadcast v2, $0x2;
	_ =	sdelay $0x1  }
0xa6: {  	s18 =	simm.s32 $0x10;
	v8 =	vadd.f32 v3, v5  }
0xa7: {  	v7 =	vld [tilespmem:s18+$0x180]  }
0xa8: {  	v4 =	vmax.f32 v8, $0.0e+00  }
0xa9: {  	v3 =	vbroadcast v1, $0x2;
	v6 =	vmul.f32 v4, v4;
	_ =	sdelay $0x1  }
0xaa: {  	s17 =	simm.s32 $0x80;
	vm0 =	vgt.f32 v8, $0.0e+00;
	v4 =	vimm.f32 $0.0e+00;
	vm1 =	vle.f32 v6, v3  }
.LBB2_13:
0xab: {  	s18 =	sshra.s32 s17, $0x2;
	p0 =	sne.s32 s17, $0xBFC0;
	s17 =	sadd.s32 $0x40, s17;
	v8 =	vadd.f32 v7, v5;
	vm0 =	vmand vm0, vm1  }
.Ltmp10:
0xac: {  	v7 =	vld [tilespmem:s18+$0x180];
	v6 =	vnsel vm0, $0x0, v6;
	(pc) =	sbr.rel @p0 .LBB2_13-.Ltmp10, $3  }
0xad: {  	v9 =	vmax.f32 v8, $0.0e+00;
	v4 =	vadd.f32 v6, v4  }
0xae: {  	v6 =	vmul.f32 v9, v9;
	_ =	sdelay $0x1  }
0xaf: {  	vm0 =	vgt.f32 v8, $0.0e+00;
	vm1 =	vle.f32 v6, v3  }
0xb0: {  	v5 =	vadd.f32 v7, v5;
	_ =	sdelay $0x1  }
0xb1: {  	v7 =	vmax.f32 v5, $0.0e+00  }
0xb2: {  	v7 =	vmul.f32 v7, v7  }
0xb3: {  	vm0 =	vmand vm0, vm1  }
0xb4: {  	v6 =	vnsel vm0, $0x0, v6;
	vm14 =	vgt.f32 v5, $0.0e+00;
	vm15 =	vle.f32 v7, v3;
	v3 =	vld [tilespmem:$0x3180]  }
0xb5: {  	v4 =	vadd.f32 v6, v4;
	vm0 =	vmand vm14, vm15  }
0xb6: {  	v63 =	vnsel vm0, $0x0, v7  }
0xb7: {  	v4 =	vadd.f32 v63, v4;
	_ =	sdelay $0x1  }
0xb8: {  	v3 =	vadd.f32 v3, v4;
	_ =	sdelay $0x1  }
0xb9: {  	[tilespmem:$0x3180] =	vst v3  }
.LBB2_15:
0xba: {  	(v2sf) =	vpush v1, $0x3;
	_ =	sdelay $0xe  }
0xbb: {  	s17 =	spop (v2sf)  }
0xbc: {  	p0 =	sgt.f32 s17, $0.0e+00  }
.Ltmp11:
0xbd: {  	_ = 	snop;
	(pc) =	sbr.rel @!p0 .LBB2_19-.Ltmp11, $1  }
0xbe: {  	_ =	sdelay $0x3  }
0xbf: {  	s17 =	simm.s32 $0x0  }
0xc0: {  	v3 =	vld [tilespmem:s17+$0x180];
	_ =	sdelay $0x2  }
0xc1: {  	v5 =	vbroadcast v2, $0x3;
	_ =	sdelay $0x1  }
0xc2: {  	s18 =	simm.s32 $0x10;
	v8 =	vadd.f32 v3, v5  }
0xc3: {  	v7 =	vld [tilespmem:s18+$0x180]  }
0xc4: {  	v4 =	vmax.f32 v8, $0.0e+00  }
0xc5: {  	v3 =	vbroadcast v1, $0x3;
	v6 =	vmul.f32 v4, v4;
	_ =	sdelay $0x1  }
0xc6: {  	s17 =	simm.s32 $0x80;
	vm0 =	vgt.f32 v8, $0.0e+00;
	v4 =	vimm.f32 $0.0e+00;
	vm1 =	vle.f32 v6, v3  }
.LBB2_17:
0xc7: {  	s18 =	sshra.s32 s17, $0x2;
	p0 =	sne.s32 s17, $0xBFC0;
	s17 =	sadd.s32 $0x40, s17;
	v8 =	vadd.f32 v7, v5;
	vm0 =	vmand vm0, vm1  }
.Ltmp12:
0xc8: {  	v7 =	vld [tilespmem:s18+$0x180];
	v6 =	vnsel vm0, $0x0, v6;
	(pc) =	sbr.rel @p0 .LBB2_17-.Ltmp12, $3  }
0xc9: {  	v9 =	vmax.f32 v8, $0.0e+00;
	v4 =	vadd.f32 v6, v4  }
0xca: {  	v6 =	vmul.f32 v9, v9;
	_ =	sdelay $0x1  }
0xcb: {  	vm0 =	vgt.f32 v8, $0.0e+00;
	vm1 =	vle.f32 v6, v3  }
0xcc: {  	v5 =	vadd.f32 v7, v5;
	_ =	sdelay $0x1  }
0xcd: {  	v7 =	vmax.f32 v5, $0.0e+00  }
0xce: {  	v7 =	vmul.f32 v7, v7  }
0xcf: {  	vm0 =	vmand vm0, vm1  }
0xd0: {  	v6 =	vnsel vm0, $0x0, v6;
	vm14 =	vgt.f32 v5, $0.0e+00;
	vm15 =	vle.f32 v7, v3;
	v3 =	vld [tilespmem:$0x3180]  }
0xd1: {  	v4 =	vadd.f32 v6, v4;
	vm0 =	vmand vm14, vm15  }
0xd2: {  	v63 =	vnsel vm0, $0x0, v7  }
0xd3: {  	v4 =	vadd.f32 v63, v4;
	_ =	sdelay $0x1  }
0xd4: {  	v3 =	vadd.f32 v3, v4;
	_ =	sdelay $0x1  }
0xd5: {  	[tilespmem:$0x3180] =	vst v3  }
.LBB2_19:
0xd6: {  	(v2sf) =	vpush v1, $0x4;
	_ =	sdelay $0xe  }
0xd7: {  	s17 =	spop (v2sf)  }
0xd8: {  	p0 =	sgt.f32 s17, $0.0e+00  }
.Ltmp13:
0xd9: {  	_ = 	snop;
	(pc) =	sbr.rel @!p0 .LBB2_23-.Ltmp13, $1  }
0xda: {  	_ =	sdelay $0x3  }
0xdb: {  	s17 =	simm.s32 $0x0  }
0xdc: {  	v3 =	vld [tilespmem:s17+$0x180];
	_ =	sdelay $0x2  }
0xdd: {  	v5 =	vbroadcast v2, $0x4;
	_ =	sdelay $0x1  }
0xde: {  	s18 =	simm.s32 $0x10;
	v8 =	vadd.f32 v3, v5  }
0xdf: {  	v7 =	vld [tilespmem:s18+$0x180]  }
0xe0: {  	v4 =	vmax.f32 v8, $0.0e+00  }
0xe1: {  	v3 =	vbroadcast v1, $0x4;
	v6 =	vmul.f32 v4, v4;
	_ =	sdelay $0x1  }
0xe2: {  	s17 =	simm.s32 $0x80;
	vm0 =	vgt.f32 v8, $0.0e+00;
	v4 =	vimm.f32 $0.0e+00;
	vm1 =	vle.f32 v6, v3  }
.LBB2_21:
0xe3: {  	s18 =	sshra.s32 s17, $0x2;
	p0 =	sne.s32 s17, $0xBFC0;
	s17 =	sadd.s32 $0x40, s17;
	v8 =	vadd.f32 v7, v5;
	vm0 =	vmand vm0, vm1  }
.Ltmp14:
0xe4: {  	v7 =	vld [tilespmem:s18+$0x180];
	v6 =	vnsel vm0, $0x0, v6;
	(pc) =	sbr.rel @p0 .LBB2_21-.Ltmp14, $3  }
0xe5: {  	v9 =	vmax.f32 v8, $0.0e+00;
	v4 =	vadd.f32 v6, v4  }
0xe6: {  	v6 =	vmul.f32 v9, v9;
	_ =	sdelay $0x1  }
0xe7: {  	vm0 =	vgt.f32 v8, $0.0e+00;
	vm1 =	vle.f32 v6, v3  }
0xe8: {  	v5 =	vadd.f32 v7, v5;
	_ =	sdelay $0x1  }
0xe9: {  	v7 =	vmax.f32 v5, $0.0e+00  }
0xea: {  	v7 =	vmul.f32 v7, v7  }
0xeb: {  	vm0 =	vmand vm0, vm1  }
0xec: {  	v6 =	vnsel vm0, $0x0, v6;
	vm14 =	vgt.f32 v5, $0.0e+00;
	vm15 =	vle.f32 v7, v3;
	v3 =	vld [tilespmem:$0x3180]  }
0xed: {  	v4 =	vadd.f32 v6, v4;
	vm0 =	vmand vm14, vm15  }
0xee: {  	v63 =	vnsel vm0, $0x0, v7  }
0xef: {  	v4 =	vadd.f32 v63, v4;
	_ =	sdelay $0x1  }
0xf0: {  	v3 =	vadd.f32 v3, v4;
	_ =	sdelay $0x1  }
0xf1: {  	[tilespmem:$0x3180] =	vst v3  }
.LBB2_23:
0xf2: {  	(v2sf) =	vpush v1, $0x5;
	_ =	sdelay $0xe  }
0xf3: {  	s17 =	spop (v2sf)  }
0xf4: {  	p0 =	sgt.f32 s17, $0.0e+00  }
.Ltmp15:
0xf5: {  	_ = 	snop;
	(pc) =	sbr.rel @!p0 .LBB2_27-.Ltmp15, $1  }
0xf6: {  	_ =	sdelay $0x3  }
0xf7: {  	s17 =	simm.s32 $0x0  }
0xf8: {  	v3 =	vld [tilespmem:s17+$0x180];
	_ =	sdelay $0x2  }
0xf9: {  	v5 =	vbroadcast v2, $0x5;
	_ =	sdelay $0x1  }
0xfa: {  	s18 =	simm.s32 $0x10;
	v8 =	vadd.f32 v3, v5  }
0xfb: {  	v7 =	vld [tilespmem:s18+$0x180]  }
0xfc: {  	v4 =	vmax.f32 v8, $0.0e+00  }
0xfd: {  	v3 =	vbroadcast v1, $0x5;
	v6 =	vmul.f32 v4, v4;
	_ =	sdelay $0x1  }
0xfe: {  	s17 =	simm.s32 $0x80;
	vm0 =	vgt.f32 v8, $0.0e+00;
	v4 =	vimm.f32 $0.0e+00;
	vm1 =	vle.f32 v6, v3  }
.LBB2_25:
0xff: {  	s18 =	sshra.s32 s17, $0x2;
	p0 =	sne.s32 s17, $0xBFC0;
	s17 =	sadd.s32 $0x40, s17;
	v8 =	vadd.f32 v7, v5;
	vm0 =	vmand vm0, vm1  }
.Ltmp16:
0x100: {  	v7 =	vld [tilespmem:s18+$0x180];
	v6 =	vnsel vm0, $0x0, v6;
	(pc) =	sbr.rel @p0 .LBB2_25-.Ltmp16, $3  }
0x101: {  	v9 =	vmax.f32 v8, $0.0e+00;
	v4 =	vadd.f32 v6, v4  }
0x102: {  	v6 =	vmul.f32 v9, v9;
	_ =	sdelay $0x1  }
0x103: {  	vm0 =	vgt.f32 v8, $0.0e+00;
	vm1 =	vle.f32 v6, v3  }
0x104: {  	v5 =	vadd.f32 v7, v5;
	_ =	sdelay $0x1  }
0x105: {  	v7 =	vmax.f32 v5, $0.0e+00  }
0x106: {  	v7 =	vmul.f32 v7, v7  }
0x107: {  	vm0 =	vmand vm0, vm1  }
0x108: {  	v6 =	vnsel vm0, $0x0, v6;
	vm14 =	vgt.f32 v5, $0.0e+00;
	vm15 =	vle.f32 v7, v3;
	v3 =	vld [tilespmem:$0x3180]  }
0x109: {  	v4 =	vadd.f32 v6, v4;
	vm0 =	vmand vm14, vm15  }
0x10a: {  	v63 =	vnsel vm0, $0x0, v7  }
0x10b: {  	v4 =	vadd.f32 v63, v4;
	_ =	sdelay $0x1  }
0x10c: {  	v3 =	vadd.f32 v3, v4;
	_ =	sdelay $0x1  }
0x10d: {  	[tilespmem:$0x3180] =	vst v3  }
.LBB2_27:
0x10e: {  	(v2sf) =	vpush v1, $0x6;
	_ =	sdelay $0xe  }
0x10f: {  	s17 =	spop (v2sf)  }
0x110: {  	p0 =	sgt.f32 s17, $0.0e+00  }
.Ltmp17:
0x111: {  	_ = 	snop;
	(pc) =	sbr.rel @!p0 .LBB2_31-.Ltmp17, $1  }
0x112: {  	_ =	sdelay $0x3  }
0x113: {  	s17 =	simm.s32 $0x0  }
0x114: {  	v3 =	vld [tilespmem:s17+$0x180];
	_ =	sdelay $0x2  }
0x115: {  	v5 =	vbroadcast v2, $0x6;
	_ =	sdelay $0x1  }
0x116: {  	s18 =	simm.s32 $0x10;
	v8 =	vadd.f32 v3, v5  }
0x117: {  	v7 =	vld [tilespmem:s18+$0x180]  }
0x118: {  	v4 =	vmax.f32 v8, $0.0e+00  }
0x119: {  	v3 =	vbroadcast v1, $0x6;
	v6 =	vmul.f32 v4, v4;
	_ =	sdelay $0x1  }
0x11a: {  	s17 =	simm.s32 $0x80;
	vm0 =	vgt.f32 v8, $0.0e+00;
	v4 =	vimm.f32 $0.0e+00;
	vm1 =	vle.f32 v6, v3  }
.LBB2_29:
0x11b: {  	s18 =	sshra.s32 s17, $0x2;
	p0 =	sne.s32 s17, $0xBFC0;
	s17 =	sadd.s32 $0x40, s17;
	v8 =	vadd.f32 v7, v5;
	vm0 =	vmand vm0, vm1  }
.Ltmp18:
0x11c: {  	v7 =	vld [tilespmem:s18+$0x180];
	v6 =	vnsel vm0, $0x0, v6;
	(pc) =	sbr.rel @p0 .LBB2_29-.Ltmp18, $3  }
0x11d: {  	v9 =	vmax.f32 v8, $0.0e+00;
	v4 =	vadd.f32 v6, v4  }
0x11e: {  	v6 =	vmul.f32 v9, v9;
	_ =	sdelay $0x1  }
0x11f: {  	vm0 =	vgt.f32 v8, $0.0e+00;
	vm1 =	vle.f32 v6, v3  }
0x120: {  	v5 =	vadd.f32 v7, v5;
	_ =	sdelay $0x1  }
0x121: {  	v7 =	vmax.f32 v5, $0.0e+00  }
0x122: {  	v7 =	vmul.f32 v7, v7  }
0x123: {  	vm0 =	vmand vm0, vm1  }
0x124: {  	v6 =	vnsel vm0, $0x0, v6;
	vm14 =	vgt.f32 v5, $0.0e+00;
	vm15 =	vle.f32 v7, v3;
	v3 =	vld [tilespmem:$0x3180]  }
0x125: {  	v4 =	vadd.f32 v6, v4;
	vm0 =	vmand vm14, vm15  }
0x126: {  	v63 =	vnsel vm0, $0x0, v7  }
0x127: {  	v4 =	vadd.f32 v63, v4;
	_ =	sdelay $0x1  }
0x128: {  	v3 =	vadd.f32 v3, v4;
	_ =	sdelay $0x1  }
0x129: {  	[tilespmem:$0x3180] =	vst v3  }
.LBB2_31:
0x12a: {  	(v2sf) =	vpush v1, $0x7;
	_ =	sdelay $0xe  }
0x12b: {  	s17 =	spop (v2sf)  }
0x12c: {  	p0 =	sgt.f32 s17, $0.0e+00  }
.Ltmp19:
0x12d: {  	_ = 	snop;
	(pc) =	sbr.rel @!p0 .LBB2_35-.Ltmp19, $1  }
0x12e: {  	_ =	sdelay $0x3  }
0x12f: {  	s17 =	simm.s32 $0x0  }
0x130: {  	v3 =	vld [tilespmem:s17+$0x180];
	_ =	sdelay $0x2  }
0x131: {  	v5 =	vbroadcast v2, $0x7;
	_ =	sdelay $0x1  }
0x132: {  	s18 =	simm.s32 $0x10;
	v8 =	vadd.f32 v3, v5  }
0x133: {  	v7 =	vld [tilespmem:s18+$0x180]  }
0x134: {  	v4 =	vmax.f32 v8, $0.0e+00  }
0x135: {  	v3 =	vbroadcast v1, $0x7;
	v6 =	vmul.f32 v4, v4;
	_ =	sdelay $0x1  }
0x136: {  	s17 =	simm.s32 $0x80;
	vm0 =	vgt.f32 v8, $0.0e+00;
	v4 =	vimm.f32 $0.0e+00;
	vm1 =	vle.f32 v6, v3  }
.LBB2_33:
0x137: {  	s18 =	sshra.s32 s17, $0x2;
	p0 =	sne.s32 s17, $0xBFC0;
	s17 =	sadd.s32 $0x40, s17;
	v8 =	vadd.f32 v7, v5;
	vm0 =	vmand vm0, vm1  }
.Ltmp20:
0x138: {  	v7 =	vld [tilespmem:s18+$0x180];
	v6 =	vnsel vm0, $0x0, v6;
	(pc) =	sbr.rel @p0 .LBB2_33-.Ltmp20, $3  }
0x139: {  	v9 =	vmax.f32 v8, $0.0e+00;
	v4 =	vadd.f32 v6, v4  }
0x13a: {  	v6 =	vmul.f32 v9, v9;
	_ =	sdelay $0x1  }
0x13b: {  	vm0 =	vgt.f32 v8, $0.0e+00;
	vm1 =	vle.f32 v6, v3  }
0x13c: {  	v5 =	vadd.f32 v7, v5;
	_ =	sdelay $0x1  }
0x13d: {  	v7 =	vmax.f32 v5, $0.0e+00  }
0x13e: {  	v7 =	vmul.f32 v7, v7  }
0x13f: {  	vm0 =	vmand vm0, vm1  }
0x140: {  	v6 =	vnsel vm0, $0x0, v6;
	vm14 =	vgt.f32 v5, $0.0e+00;
	vm15 =	vle.f32 v7, v3;
	v3 =	vld [tilespmem:$0x3180]  }
0x141: {  	v4 =	vadd.f32 v6, v4;
	vm0 =	vmand vm14, vm15  }
0x142: {  	v63 =	vnsel vm0, $0x0, v7  }
0x143: {  	v4 =	vadd.f32 v63, v4;
	_ =	sdelay $0x1  }
0x144: {  	v3 =	vadd.f32 v3, v4;
	_ =	sdelay $0x1  }
0x145: {  	[tilespmem:$0x3180] =	vst v3  }
.LBB2_35:
0x146: {  	(v2sf) =	vpush v1, $0x8;
	_ =	sdelay $0xe  }
0x147: {  	s17 =	spop (v2sf)  }
0x148: {  	p0 =	sgt.f32 s17, $0.0e+00  }
.Ltmp21:
0x149: {  	_ = 	snop;
	(pc) =	sbr.rel @!p0 .LBB2_39-.Ltmp21, $1  }
0x14a: {  	_ =	sdelay $0x3  }
0x14b: {  	s17 =	simm.s32 $0x0  }
0x14c: {  	v3 =	vld [tilespmem:s17+$0x180];
	_ =	sdelay $0x2  }
0x14d: {  	v5 =	vbroadcast v2, $0x8;
	_ =	sdelay $0x1  }
0x14e: {  	s18 =	simm.s32 $0x10;
	v8 =	vadd.f32 v3, v5  }
0x14f: {  	v7 =	vld [tilespmem:s18+$0x180]  }
0x150: {  	v4 =	vmax.f32 v8, $0.0e+00  }
0x151: {  	v3 =	vbroadcast v1, $0x8;
	v6 =	vmul.f32 v4, v4;
	_ =	sdelay $0x1  }
0x152: {  	s17 =	simm.s32 $0x80;
	vm0 =	vgt.f32 v8, $0.0e+00;
	v4 =	vimm.f32 $0.0e+00;
	vm1 =	vle.f32 v6, v3  }
.LBB2_37:
0x153: {  	s18 =	sshra.s32 s17, $0x2;
	p0 =	sne.s32 s17, $0xBFC0;
	s17 =	sadd.s32 $0x40, s17;
	v8 =	vadd.f32 v7, v5;
	vm0 =	vmand vm0, vm1  }
.Ltmp22:
0x154: {  	v7 =	vld [tilespmem:s18+$0x180];
	v6 =	vnsel vm0, $0x0, v6;
	(pc) =	sbr.rel @p0 .LBB2_37-.Ltmp22, $3  }
0x155: {  	v9 =	vmax.f32 v8, $0.0e+00;
	v4 =	vadd.f32 v6, v4  }
0x156: {  	v6 =	vmul.f32 v9, v9;
	_ =	sdelay $0x1  }
0x157: {  	vm0 =	vgt.f32 v8, $0.0e+00;
	vm1 =	vle.f32 v6, v3  }
0x158: {  	v5 =	vadd.f32 v7, v5;
	_ =	sdelay $0x1  }
0x159: {  	v7 =	vmax.f32 v5, $0.0e+00  }
0x15a: {  	v7 =	vmul.f32 v7, v7  }
0x15b: {  	vm0 =	vmand vm0, vm1  }
0x15c: {  	v6 =	vnsel vm0, $0x0, v6;
	vm14 =	vgt.f32 v5, $0.0e+00;
	vm15 =	vle.f32 v7, v3;
	v3 =	vld [tilespmem:$0x3180]  }
0x15d: {  	v4 =	vadd.f32 v6, v4;
	vm0 =	vmand vm14, vm15  }
0x15e: {  	v63 =	vnsel vm0, $0x0, v7  }
0x15f: {  	v4 =	vadd.f32 v63, v4;
	_ =	sdelay $0x1  }
0x160: {  	v3 =	vadd.f32 v3, v4;
	_ =	sdelay $0x1  }
0x161: {  	[tilespmem:$0x3180] =	vst v3  }
.LBB2_39:
0x162: {  	(v2sf) =	vpush v1, $0x9;
	_ =	sdelay $0xe  }
0x163: {  	s17 =	spop (v2sf)  }
0x164: {  	p0 =	sgt.f32 s17, $0.0e+00  }
.Ltmp23:
0x165: {  	_ = 	snop;
	(pc) =	sbr.rel @!p0 .LBB2_43-.Ltmp23, $1  }
0x166: {  	_ =	sdelay $0x3  }
0x167: {  	s17 =	simm.s32 $0x0  }
0x168: {  	v3 =	vld [tilespmem:s17+$0x180];
	_ =	sdelay $0x2  }
0x169: {  	v5 =	vbroadcast v2, $0x9;
	_ =	sdelay $0x1  }
0x16a: {  	s18 =	simm.s32 $0x10;
	v8 =	vadd.f32 v3, v5  }
0x16b: {  	v7 =	vld [tilespmem:s18+$0x180]  }
0x16c: {  	v4 =	vmax.f32 v8, $0.0e+00  }
0x16d: {  	v3 =	vbroadcast v1, $0x9;
	v6 =	vmul.f32 v4, v4;
	_ =	sdelay $0x1  }
0x16e: {  	s17 =	simm.s32 $0x80;
	vm0 =	vgt.f32 v8, $0.0e+00;
	v4 =	vimm.f32 $0.0e+00;
	vm1 =	vle.f32 v6, v3  }
.LBB2_41:
0x16f: {  	s18 =	sshra.s32 s17, $0x2;
	p0 =	sne.s32 s17, $0xBFC0;
	s17 =	sadd.s32 $0x40, s17;
	v8 =	vadd.f32 v7, v5;
	vm0 =	vmand vm0, vm1  }
.Ltmp24:
0x170: {  	v7 =	vld [tilespmem:s18+$0x180];
	v6 =	vnsel vm0, $0x0, v6;
	(pc) =	sbr.rel @p0 .LBB2_41-.Ltmp24, $3  }
0x171: {  	v9 =	vmax.f32 v8, $0.0e+00;
	v4 =	vadd.f32 v6, v4  }
0x172: {  	v6 =	vmul.f32 v9, v9;
	_ =	sdelay $0x1  }
0x173: {  	vm0 =	vgt.f32 v8, $0.0e+00;
	vm1 =	vle.f32 v6, v3  }
0x174: {  	v5 =	vadd.f32 v7, v5;
	_ =	sdelay $0x1  }
0x175: {  	v7 =	vmax.f32 v5, $0.0e+00  }
0x176: {  	v7 =	vmul.f32 v7, v7  }
0x177: {  	vm0 =	vmand vm0, vm1  }
0x178: {  	v6 =	vnsel vm0, $0x0, v6;
	vm14 =	vgt.f32 v5, $0.0e+00;
	vm15 =	vle.f32 v7, v3;
	v3 =	vld [tilespmem:$0x3180]  }
0x179: {  	v4 =	vadd.f32 v6, v4;
	vm0 =	vmand vm14, vm15  }
0x17a: {  	v63 =	vnsel vm0, $0x0, v7  }
0x17b: {  	v4 =	vadd.f32 v63, v4;
	_ =	sdelay $0x1  }
0x17c: {  	v3 =	vadd.f32 v3, v4;
	_ =	sdelay $0x1  }
0x17d: {  	[tilespmem:$0x3180] =	vst v3  }
.LBB2_43:
0x17e: {  	(v2sf) =	vpush v1, $0xA;
	_ =	sdelay $0xe  }
0x17f: {  	s17 =	spop (v2sf)  }
0x180: {  	p0 =	sgt.f32 s17, $0.0e+00  }
.Ltmp25:
0x181: {  	_ = 	snop;
	(pc) =	sbr.rel @!p0 .LBB2_47-.Ltmp25, $1  }
0x182: {  	_ =	sdelay $0x3  }
0x183: {  	s17 =	simm.s32 $0x0  }
0x184: {  	v3 =	vld [tilespmem:s17+$0x180];
	_ =	sdelay $0x2  }
0x185: {  	v5 =	vbroadcast v2, $0xA;
	_ =	sdelay $0x1  }
0x186: {  	s18 =	simm.s32 $0x10;
	v8 =	vadd.f32 v3, v5  }
0x187: {  	v7 =	vld [tilespmem:s18+$0x180]  }
0x188: {  	v4 =	vmax.f32 v8, $0.0e+00  }
0x189: {  	v3 =	vbroadcast v1, $0xA;
	v6 =	vmul.f32 v4, v4;
	_ =	sdelay $0x1  }
0x18a: {  	s17 =	simm.s32 $0x80;
	vm0 =	vgt.f32 v8, $0.0e+00;
	v4 =	vimm.f32 $0.0e+00;
	vm1 =	vle.f32 v6, v3  }
.LBB2_45:
0x18b: {  	s18 =	sshra.s32 s17, $0x2;
	p0 =	sne.s32 s17, $0xBFC0;
	s17 =	sadd.s32 $0x40, s17;
	v8 =	vadd.f32 v7, v5;
	vm0 =	vmand vm0, vm1  }
.Ltmp26:
0x18c: {  	v7 =	vld [tilespmem:s18+$0x180];
	v6 =	vnsel vm0, $0x0, v6;
	(pc) =	sbr.rel @p0 .LBB2_45-.Ltmp26, $3  }
0x18d: {  	v9 =	vmax.f32 v8, $0.0e+00;
	v4 =	vadd.f32 v6, v4  }
0x18e: {  	v6 =	vmul.f32 v9, v9;
	_ =	sdelay $0x1  }
0x18f: {  	vm0 =	vgt.f32 v8, $0.0e+00;
	vm1 =	vle.f32 v6, v3  }
0x190: {  	v5 =	vadd.f32 v7, v5;
	_ =	sdelay $0x1  }
0x191: {  	v7 =	vmax.f32 v5, $0.0e+00  }
0x192: {  	v7 =	vmul.f32 v7, v7  }
0x193: {  	vm0 =	vmand vm0, vm1  }
0x194: {  	v6 =	vnsel vm0, $0x0, v6;
	vm14 =	vgt.f32 v5, $0.0e+00;
	vm15 =	vle.f32 v7, v3;
	v3 =	vld [tilespmem:$0x3180]  }
0x195: {  	v4 =	vadd.f32 v6, v4;
	vm0 =	vmand vm14, vm15  }
0x196: {  	v63 =	vnsel vm0, $0x0, v7  }
0x197: {  	v4 =	vadd.f32 v63, v4;
	_ =	sdelay $0x1  }
0x198: {  	v3 =	vadd.f32 v3, v4;
	_ =	sdelay $0x1  }
0x199: {  	[tilespmem:$0x3180] =	vst v3  }
.LBB2_47:
0x19a: {  	(v2sf) =	vpush v1, $0xB;
	_ =	sdelay $0xe  }
0x19b: {  	s17 =	spop (v2sf)  }
0x19c: {  	p0 =	sgt.f32 s17, $0.0e+00  }
.Ltmp27:
0x19d: {  	_ = 	snop;
	(pc) =	sbr.rel @!p0 .LBB2_51-.Ltmp27, $1  }
0x19e: {  	_ =	sdelay $0x3  }
0x19f: {  	s17 =	simm.s32 $0x0  }
0x1a0: {  	v3 =	vld [tilespmem:s17+$0x180];
	_ =	sdelay $0x2  }
0x1a1: {  	v5 =	vbroadcast v2, $0xB;
	_ =	sdelay $0x1  }
0x1a2: {  	s18 =	simm.s32 $0x10;
	v8 =	vadd.f32 v3, v5  }
0x1a3: {  	v7 =	vld [tilespmem:s18+$0x180]  }
0x1a4: {  	v4 =	vmax.f32 v8, $0.0e+00  }
0x1a5: {  	v3 =	vbroadcast v1, $0xB;
	v6 =	vmul.f32 v4, v4;
	_ =	sdelay $0x1  }
0x1a6: {  	s17 =	simm.s32 $0x80;
	vm0 =	vgt.f32 v8, $0.0e+00;
	v4 =	vimm.f32 $0.0e+00;
	vm1 =	vle.f32 v6, v3  }
.LBB2_49:
0x1a7: {  	s18 =	sshra.s32 s17, $0x2;
	p0 =	sne.s32 s17, $0xBFC0;
	s17 =	sadd.s32 $0x40, s17;
	v8 =	vadd.f32 v7, v5;
	vm0 =	vmand vm0, vm1  }
.Ltmp28:
0x1a8: {  	v7 =	vld [tilespmem:s18+$0x180];
	v6 =	vnsel vm0, $0x0, v6;
	(pc) =	sbr.rel @p0 .LBB2_49-.Ltmp28, $3  }
0x1a9: {  	v9 =	vmax.f32 v8, $0.0e+00;
	v4 =	vadd.f32 v6, v4  }
0x1aa: {  	v6 =	vmul.f32 v9, v9;
	_ =	sdelay $0x1  }
0x1ab: {  	vm0 =	vgt.f32 v8, $0.0e+00;
	vm1 =	vle.f32 v6, v3  }
0x1ac: {  	v5 =	vadd.f32 v7, v5;
	_ =	sdelay $0x1  }
0x1ad: {  	v7 =	vmax.f32 v5, $0.0e+00  }
0x1ae: {  	v7 =	vmul.f32 v7, v7  }
0x1af: {  	vm0 =	vmand vm0, vm1  }
0x1b0: {  	v6 =	vnsel vm0, $0x0, v6;
	vm14 =	vgt.f32 v5, $0.0e+00;
	vm15 =	vle.f32 v7, v3;
	v3 =	vld [tilespmem:$0x3180]  }
0x1b1: {  	v4 =	vadd.f32 v6, v4;
	vm0 =	vmand vm14, vm15  }
0x1b2: {  	v63 =	vnsel vm0, $0x0, v7  }
0x1b3: {  	v4 =	vadd.f32 v63, v4;
	_ =	sdelay $0x1  }
0x1b4: {  	v3 =	vadd.f32 v3, v4;
	_ =	sdelay $0x1  }
0x1b5: {  	[tilespmem:$0x3180] =	vst v3  }
.LBB2_51:
0x1b6: {  	(v2sf) =	vpush v1, $0xC;
	_ =	sdelay $0xe  }
0x1b7: {  	s17 =	spop (v2sf)  }
0x1b8: {  	p0 =	sgt.f32 s17, $0.0e+00  }
.Ltmp29:
0x1b9: {  	_ = 	snop;
	(pc) =	sbr.rel @!p0 .LBB2_55-.Ltmp29, $1  }
0x1ba: {  	_ =	sdelay $0x3  }
0x1bb: {  	s17 =	simm.s32 $0x0  }
0x1bc: {  	v3 =	vld [tilespmem:s17+$0x180];
	_ =	sdelay $0x2  }
0x1bd: {  	v5 =	vbroadcast v2, $0xC;
	_ =	sdelay $0x1  }
0x1be: {  	s18 =	simm.s32 $0x10;
	v8 =	vadd.f32 v3, v5  }
0x1bf: {  	v7 =	vld [tilespmem:s18+$0x180]  }
0x1c0: {  	v4 =	vmax.f32 v8, $0.0e+00  }
0x1c1: {  	v3 =	vbroadcast v1, $0xC;
	v6 =	vmul.f32 v4, v4;
	_ =	sdelay $0x1  }
0x1c2: {  	s17 =	simm.s32 $0x80;
	vm0 =	vgt.f32 v8, $0.0e+00;
	v4 =	vimm.f32 $0.0e+00;
	vm1 =	vle.f32 v6, v3  }
.LBB2_53:
0x1c3: {  	s18 =	sshra.s32 s17, $0x2;
	p0 =	sne.s32 s17, $0xBFC0;
	s17 =	sadd.s32 $0x40, s17;
	v8 =	vadd.f32 v7, v5;
	vm0 =	vmand vm0, vm1  }
.Ltmp30:
0x1c4: {  	v7 =	vld [tilespmem:s18+$0x180];
	v6 =	vnsel vm0, $0x0, v6;
	(pc) =	sbr.rel @p0 .LBB2_53-.Ltmp30, $3  }
0x1c5: {  	v9 =	vmax.f32 v8, $0.0e+00;
	v4 =	vadd.f32 v6, v4  }
0x1c6: {  	v6 =	vmul.f32 v9, v9;
	_ =	sdelay $0x1  }
0x1c7: {  	vm0 =	vgt.f32 v8, $0.0e+00;
	vm1 =	vle.f32 v6, v3  }
0x1c8: {  	v5 =	vadd.f32 v7, v5;
	_ =	sdelay $0x1  }
0x1c9: {  	v7 =	vmax.f32 v5, $0.0e+00  }
0x1ca: {  	v7 =	vmul.f32 v7, v7  }
0x1cb: {  	vm0 =	vmand vm0, vm1  }
0x1cc: {  	v6 =	vnsel vm0, $0x0, v6;
	vm14 =	vgt.f32 v5, $0.0e+00;
	vm15 =	vle.f32 v7, v3;
	v3 =	vld [tilespmem:$0x3180]  }
0x1cd: {  	v4 =	vadd.f32 v6, v4;
	vm0 =	vmand vm14, vm15  }
0x1ce: {  	v63 =	vnsel vm0, $0x0, v7  }
0x1cf: {  	v4 =	vadd.f32 v63, v4;
	_ =	sdelay $0x1  }
0x1d0: {  	v3 =	vadd.f32 v3, v4;
	_ =	sdelay $0x1  }
0x1d1: {  	[tilespmem:$0x3180] =	vst v3  }
.LBB2_55:
0x1d2: {  	(v2sf) =	vpush v1, $0xD;
	_ =	sdelay $0xe  }
0x1d3: {  	s17 =	spop (v2sf)  }
0x1d4: {  	p0 =	sgt.f32 s17, $0.0e+00  }
.Ltmp31:
0x1d5: {  	_ = 	snop;
	(pc) =	sbr.rel @!p0 .LBB2_59-.Ltmp31, $1  }
0x1d6: {  	_ =	sdelay $0x3  }
0x1d7: {  	s17 =	simm.s32 $0x0  }
0x1d8: {  	v3 =	vld [tilespmem:s17+$0x180];
	_ =	sdelay $0x2  }
0x1d9: {  	v5 =	vbroadcast v2, $0xD;
	_ =	sdelay $0x1  }
0x1da: {  	s18 =	simm.s32 $0x10;
	v8 =	vadd.f32 v3, v5  }
0x1db: {  	v7 =	vld [tilespmem:s18+$0x180]  }
0x1dc: {  	v4 =	vmax.f32 v8, $0.0e+00  }
0x1dd: {  	v3 =	vbroadcast v1, $0xD;
	v6 =	vmul.f32 v4, v4;
	_ =	sdelay $0x1  }
0x1de: {  	s17 =	simm.s32 $0x80;
	vm0 =	vgt.f32 v8, $0.0e+00;
	v4 =	vimm.f32 $0.0e+00;
	vm1 =	vle.f32 v6, v3  }
.LBB2_57:
0x1df: {  	s18 =	sshra.s32 s17, $0x2;
	p0 =	sne.s32 s17, $0xBFC0;
	s17 =	sadd.s32 $0x40, s17;
	v8 =	vadd.f32 v7, v5;
	vm0 =	vmand vm0, vm1  }
.Ltmp32:
0x1e0: {  	v7 =	vld [tilespmem:s18+$0x180];
	v6 =	vnsel vm0, $0x0, v6;
	(pc) =	sbr.rel @p0 .LBB2_57-.Ltmp32, $3  }
0x1e1: {  	v9 =	vmax.f32 v8, $0.0e+00;
	v4 =	vadd.f32 v6, v4  }
0x1e2: {  	v6 =	vmul.f32 v9, v9;
	_ =	sdelay $0x1  }
0x1e3: {  	vm0 =	vgt.f32 v8, $0.0e+00;
	vm1 =	vle.f32 v6, v3  }
0x1e4: {  	v5 =	vadd.f32 v7, v5;
	_ =	sdelay $0x1  }
0x1e5: {  	v7 =	vmax.f32 v5, $0.0e+00  }
0x1e6: {  	v7 =	vmul.f32 v7, v7  }
0x1e7: {  	vm0 =	vmand vm0, vm1  }
0x1e8: {  	v6 =	vnsel vm0, $0x0, v6;
	vm14 =	vgt.f32 v5, $0.0e+00;
	vm15 =	vle.f32 v7, v3;
	v3 =	vld [tilespmem:$0x3180]  }
0x1e9: {  	v4 =	vadd.f32 v6, v4;
	vm0 =	vmand vm14, vm15  }
0x1ea: {  	v63 =	vnsel vm0, $0x0, v7  }
0x1eb: {  	v4 =	vadd.f32 v63, v4;
	_ =	sdelay $0x1  }
0x1ec: {  	v3 =	vadd.f32 v3, v4;
	_ =	sdelay $0x1  }
0x1ed: {  	[tilespmem:$0x3180] =	vst v3  }
.LBB2_59:
0x1ee: {  	(v2sf) =	vpush v1, $0xE;
	_ =	sdelay $0xe  }
0x1ef: {  	s17 =	spop (v2sf)  }
0x1f0: {  	p0 =	sgt.f32 s17, $0.0e+00  }
.Ltmp33:
0x1f1: {  	_ = 	snop;
	(pc) =	sbr.rel @!p0 .LBB2_63-.Ltmp33, $1  }
0x1f2: {  	_ =	sdelay $0x3  }
0x1f3: {  	s17 =	simm.s32 $0x0  }
0x1f4: {  	v3 =	vld [tilespmem:s17+$0x180];
	_ =	sdelay $0x2  }
0x1f5: {  	v5 =	vbroadcast v2, $0xE;
	_ =	sdelay $0x1  }
0x1f6: {  	s18 =	simm.s32 $0x10;
	v8 =	vadd.f32 v3, v5  }
0x1f7: {  	v7 =	vld [tilespmem:s18+$0x180]  }
0x1f8: {  	v4 =	vmax.f32 v8, $0.0e+00  }
0x1f9: {  	v3 =	vbroadcast v1, $0xE;
	v6 =	vmul.f32 v4, v4;
	_ =	sdelay $0x1  }
0x1fa: {  	s17 =	simm.s32 $0x80;
	vm0 =	vgt.f32 v8, $0.0e+00;
	v4 =	vimm.f32 $0.0e+00;
	vm1 =	vle.f32 v6, v3  }
.LBB2_61:
0x1fb: {  	s18 =	sshra.s32 s17, $0x2;
	p0 =	sne.s32 s17, $0xBFC0;
	s17 =	sadd.s32 $0x40, s17;
	v8 =	vadd.f32 v7, v5;
	vm0 =	vmand vm0, vm1  }
.Ltmp34:
0x1fc: {  	v7 =	vld [tilespmem:s18+$0x180];
	v6 =	vnsel vm0, $0x0, v6;
	(pc) =	sbr.rel @p0 .LBB2_61-.Ltmp34, $3  }
0x1fd: {  	v9 =	vmax.f32 v8, $0.0e+00;
	v4 =	vadd.f32 v6, v4  }
0x1fe: {  	v6 =	vmul.f32 v9, v9;
	_ =	sdelay $0x1  }
0x1ff: {  	vm0 =	vgt.f32 v8, $0.0e+00;
	vm1 =	vle.f32 v6, v3  }
0x200: {  	v5 =	vadd.f32 v7, v5;
	_ =	sdelay $0x1  }
0x201: {  	v7 =	vmax.f32 v5, $0.0e+00  }
0x202: {  	v7 =	vmul.f32 v7, v7  }
0x203: {  	vm0 =	vmand vm0, vm1  }
0x204: {  	v6 =	vnsel vm0, $0x0, v6;
	vm14 =	vgt.f32 v5, $0.0e+00;
	vm15 =	vle.f32 v7, v3;
	v3 =	vld [tilespmem:$0x3180]  }
0x205: {  	v4 =	vadd.f32 v6, v4;
	vm0 =	vmand vm14, vm15  }
0x206: {  	v63 =	vnsel vm0, $0x0, v7  }
0x207: {  	v4 =	vadd.f32 v63, v4;
	_ =	sdelay $0x1  }
0x208: {  	v3 =	vadd.f32 v3, v4;
	_ =	sdelay $0x1  }
0x209: {  	[tilespmem:$0x3180] =	vst v3  }
.LBB2_63:
0x20a: {  	(v2sf) =	vpush v1, $0xF;
	_ =	sdelay $0xe  }
0x20b: {  	s17 =	spop (v2sf)  }
0x20c: {  	p0 =	sgt.f32 s17, $0.0e+00  }
.Ltmp35:
0x20d: {  	_ = 	snop;
	(pc) =	sbr.rel @!p0 .LBB2_67-.Ltmp35, $1  }
0x20e: {  	_ =	sdelay $0x3  }
0x20f: {  	s17 =	simm.s32 $0x0  }
0x210: {  	v4 =	vld [tilespmem:s17+$0x180];
	_ =	sdelay $0x2  }
0x211: {  	v3 =	vbroadcast v2, $0xF;
	_ =	sdelay $0x1  }
0x212: {  	s18 =	simm.s32 $0x10;
	v6 =	vadd.f32 v4, v3  }
0x213: {  	v5 =	vld [tilespmem:s18+$0x180]  }
0x214: {  	v2 =	vmax.f32 v6, $0.0e+00  }
0x215: {  	v1 =	vbroadcast v1, $0xF;
	v4 =	vmul.f32 v2, v2;
	_ =	sdelay $0x1  }
0x216: {  	s17 =	simm.s32 $0x80;
	vm0 =	vgt.f32 v6, $0.0e+00;
	v2 =	vimm.f32 $0.0e+00;
	vm1 =	vle.f32 v4, v1  }
.LBB2_65:
0x217: {  	s18 =	sshra.s32 s17, $0x2;
	p0 =	sne.s32 s17, $0xBFC0;
	s17 =	sadd.s32 $0x40, s17;
	v6 =	vadd.f32 v5, v3;
	vm0 =	vmand vm0, vm1  }
.Ltmp36:
0x218: {  	v5 =	vld [tilespmem:s18+$0x180];
	v4 =	vnsel vm0, $0x0, v4;
	(pc) =	sbr.rel @p0 .LBB2_65-.Ltmp36, $3  }
0x219: {  	v7 =	vmax.f32 v6, $0.0e+00;
	v2 =	vadd.f32 v4, v2  }
0x21a: {  	v4 =	vmul.f32 v7, v7;
	_ =	sdelay $0x1  }
0x21b: {  	vm0 =	vgt.f32 v6, $0.0e+00;
	vm1 =	vle.f32 v4, v1  }
0x21c: {  	v3 =	vadd.f32 v5, v3;
	_ =	sdelay $0x1  }
0x21d: {  	v5 =	vmax.f32 v3, $0.0e+00  }
0x21e: {  	v5 =	vmul.f32 v5, v5  }
0x21f: {  	vm0 =	vmand vm0, vm1  }
0x220: {  	v4 =	vnsel vm0, $0x0, v4;
	vm14 =	vgt.f32 v3, $0.0e+00;
	vm15 =	vle.f32 v5, v1;
	v1 =	vld [tilespmem:$0x3180]  }
0x221: {  	v2 =	vadd.f32 v4, v2;
	vm0 =	vmand vm14, vm15  }
0x222: {  	v3 =	vnsel vm0, $0x0, v5  }
.Ltmp37:
0x223: {  	v2 =	vadd.f32 v3, v2;
	(pc) =	sbr.rel .LBB2_67-.Ltmp37, $3  }
0x224: {  	_ = 	snop  }
0x225: {  	v1 =	vadd.f32 v1, v2;
	_ =	sdelay $0x1  }
0x226: {  	[tilespmem:$0x3180] =	vst v1  }
.LBB2_69:
0x227: {  	_ =	sfence.sel $0x180000  }
0x228: {  	[bflag:$0x0] =	sbarrier.arrive $0xFFFF  }
0x229: {  	p0 =	sne.s32 s2, $0x0;
	_ =	strace $0x90000047  }
0x22a: {  	s0 =	sadd.s32 @!p0 $0x100000, s0;
	[bflag:$0x2] =	sbarrier.arrive $0xFFFF  }
0x22b: {  	[sflag:s0] =	ssyncadd.tile.s32 @!p0 $0x1;
	_ =	shalt  }
.Lfunc_end2:
_tile_overlayer_lowered:
.L_overlay_start_2:
0x22c: {  	(tag) =	ssettag $0x2  }
0x22d: {  	s0 =	rddreg [dreg:$0x0];
	s2 =	stileid.u32  }
0x22e: {  	s1 =	rddreg [dreg:$0x1];
	p0 =	sne.s32 s2, $0x0  }
0x22f: {  	s3 =	rddreg [dreg:$0x2];
	[bflag:$0x3] =	sbarrier.arrive $0xFFFF;
	s2 =	simm.s32 @!p0 $0x1C02  }
0x230: {  	[timem:s3], [sflag:s2] =	dma.local @!p0 [hbm:s0], s1  }
0x231: {  	s0 =	simm.s32 @!p0 $0x2  }
0x232: {  	_ =	swait.ge @!p0 [sflag:s0], s1  }
0x233: {  	s1 =	ssub.s32 @!p0 $0x0, s1;
	[sflag:s0] =	ssyncset.done @!p0 $0x0  }
0x234: {  	[sflag:s0] =	ssyncadd.s32 @!p0 s1  }
0x235: {  	[bflag:$0x3] =	sbarrier.arrive $0xFFFF  }
0x236: {  	_ =	shalt  }

</sc_bundles>
